<compile_context>
chip_gen: v7x
topology: tpu7x:2x2x1
jax: 0.10.2.dev20260603
libtpu: 0.0.44.dev20260713+nightly
codegen_flags: <defaults>
</compile_context>

<pallas_src>
import functools

import jax
import jax.numpy as jnp
from jax import lax
from jax.experimental import pallas as pl
from jax.experimental.pallas import tpu as pltpu
from jax.experimental.pallas import tpu_sc as plsc

B = 16384
S = 52
K = S - 1
D = 128
E = 1000
MAX_NORM = 1.0
EPS = 1e-7

CHUNK = 128
GROUP = 2
GR = GROUP * CHUNK
BLK = 2048


def _renorm_body(w_ref, out_ref):
    w = w_ref[...]
    norms = jnp.sqrt(jnp.sum(w * w, axis=1, keepdims=True))
    scale = jnp.minimum(1.0, MAX_NORM / (norms + EPS))
    out_ref[...] = w * scale


def _renorm_table(w):
    return pl.pallas_call(
        _renorm_body,
        out_shape=jax.ShapeDtypeStruct((E, D), jnp.float32),
    )(w)


def _replicate_body(plane_hbm, out_hbm, vbuf, sem_in, sem_out):
    pltpu.async_copy(plane_hbm, vbuf, sem_in).wait()
    for kk in range(K):
        pltpu.async_copy(vbuf, out_hbm.at[kk], sem_out)
    for kk in range(K):
        pltpu.make_async_copy(vbuf, out_hbm.at[kk], sem_out).wait()


def _tc_replicate(plane):
    return pl.pallas_call(
        _replicate_body,
        in_specs=[pl.BlockSpec(memory_space=pl.ANY)],
        out_specs=pl.BlockSpec(memory_space=pl.ANY),
        out_shape=jax.ShapeDtypeStruct((K, B, D), jnp.float32),
        scratch_shapes=[
            pltpu.VMEM((B, D), jnp.float32),
            pltpu.SemaphoreType.DMA,
            pltpu.SemaphoreType.DMA,
        ],
    )(plane)


def _sc_plane(table, sub_idx, nc, ns):
    nw = nc * ns
    bslice = B // nw
    sub_chunks = bslice // CHUNK
    mesh = plsc.VectorSubcoreMesh(
        core_axis_name="c", subcore_axis_name="s",
        num_cores=nc, num_subcores=ns)

    @functools.partial(
        pl.kernel,
        out_type=jax.ShapeDtypeStruct((B, D), jnp.float32),
        mesh=mesh,
        scratch_types=[
            pltpu.VMEM((sub_chunks, CHUNK), jnp.int32),
            pltpu.VMEM((bslice, D), jnp.float32),
            pltpu.VMEM_SHARED((E, D), jnp.float32),
            pltpu.SemaphoreType.DMA,
        ],
    )
    def k(table_hbm, sub_hbm, plane_out, idxs, pool, table_sp, sem):
        wid = lax.axis_index("s") * nc + lax.axis_index("c")
        b0 = wid * bslice

        @pl.when(lax.axis_index("s") == 0)
        def _():
            pltpu.sync_copy(table_hbm, table_sp)

        plsc.subcore_barrier()
        pltpu.sync_copy(sub_hbm.at[wid], idxs)
        for c in range(sub_chunks):
            pltpu.async_copy(table_sp.at[idxs.at[c]],
                             pool.at[pl.ds(c * CHUNK, CHUNK)], sem)
        for c in range(sub_chunks):
            pltpu.make_async_copy(table_sp.at[idxs.at[c]],
                                  pool.at[pl.ds(c * CHUNK, CHUNK)],
                                  sem).wait()
        pltpu.sync_copy(pool, plane_out.at[pl.ds(b0, bslice)])

    return k(table, sub_idx.reshape(nw, sub_chunks, CHUNK))


def _sc_obj(table, obj_idx, nc, ns):
    nw = nc * ns
    rows = (B * K) // nw
    nchunks = rows // CHUNK
    ngroups = nchunks // GROUP
    mesh = plsc.VectorSubcoreMesh(
        core_axis_name="c", subcore_axis_name="s",
        num_cores=nc, num_subcores=ns)

    @functools.partial(
        pl.kernel,
        out_type=jax.ShapeDtypeStruct((B * K, D), jnp.float32),
        mesh=mesh,
        scratch_types=[
            pltpu.VMEM((nchunks, CHUNK), jnp.int32),
            pltpu.VMEM((2, GR, D), jnp.float32),
            pltpu.VMEM_SHARED((E, D), jnp.float32),
            pltpu.SemaphoreType.DMA,
            pltpu.SemaphoreType.DMA,
            pltpu.SemaphoreType.DMA,
            pltpu.SemaphoreType.DMA,
        ],
    )
    def k(table_hbm, obj_hbm, out, idxs, bufs, table_sp,
          gsem0, gsem1, ssem0, ssem1):
        wid = lax.axis_index("s") * nc + lax.axis_index("c")
        base = wid * rows
        gsem = (gsem0, gsem1)
        ssem = (ssem0, ssem1)

        @pl.when(lax.axis_index("s") == 0)
        def _():
            pltpu.sync_copy(table_hbm, table_sp)

        plsc.subcore_barrier()
        pltpu.sync_copy(obj_hbm.at[wid], idxs)
        for c in range(GROUP):
            pltpu.async_copy(
                table_sp.at[idxs.at[c]],
                bufs.at[0].at[pl.ds(c * CHUNK, CHUNK)], gsem[0])

        @pl.loop(0, ngroups, step=2)
        def _(tt):
            for p in range(2):
                t = tt + p
                q = 1 - p
                for c in range(GROUP):
                    pltpu.make_async_copy(
                        table_sp.at[idxs.at[t * GROUP + c]],
                        bufs.at[p].at[pl.ds(c * CHUNK, CHUNK)],
                        gsem[p]).wait()
                pltpu.async_copy(
                    bufs.at[p], out.at[pl.ds(base + t * GR, GR)], ssem[p])
                @pl.when(t > 0)
                def _():
                    pltpu.make_async_copy(
                        bufs.at[q],
                        out.at[pl.ds(base + (t - 1) * GR, GR)],
                        ssem[q]).wait()

                @pl.when(t + 1 < ngroups)
                def _():
                    for c in range(GROUP):
                        pltpu.async_copy(
                            table_sp.at[idxs.at[(t + 1) * GROUP + c]],
                            bufs.at[q].at[pl.ds(c * CHUNK, CHUNK)],
                            gsem[q])

        pltpu.make_async_copy(
            bufs.at[1], out.at[pl.ds(base + (ngroups - 1) * GR, GR)],
            ssem[1]).wait()

    return k(table, obj_idx.reshape(nw, nchunks, CHUNK))


def kernel(inputs, embed_weight):
    scaled = _renorm_table(embed_weight)
    sub_idx = inputs[:, 0]
    obj_idx = inputs[:, 1:].T
    info = plsc.get_sparse_core_info()
    plane = _sc_plane(scaled, sub_idx, info.num_cores, info.num_subcores)
    obj = _sc_obj(scaled, obj_idx, info.num_cores, info.num_subcores)
    sub = _tc_replicate(plane)
    return (sub.transpose(1, 0, 2),
            obj.reshape(K, B, D).transpose(1, 0, 2))

# --- scband reference (transcript-rebuilt; emitter-appended) ---
"""Pipeline reference for scband-static-poincare-embed-2362232012943 (READ-ONLY COPY).

The authoritative reference and input builder live on the scoring server;
editing this copy changes nothing except your own understanding.
"""

import jax, jax.numpy as jnp
import numpy as np

NUM_ENTITIES = 1000
EMBED_DIM = 128
BATCH = 16384
NUM_PER_SAMPLE = 52
MAX_NORM = 1.0
EPS = 1e-7


def setup_inputs(seed: int = 0) -> dict:
    key = jax.random.key(seed)
    k_idx, k_w = jax.random.split(key)
    inputs = jax.random.randint(k_idx, (BATCH, NUM_PER_SAMPLE), 0, NUM_ENTITIES, dtype=jnp.int32)
    # Embedding table initialised uniform(-0.001, 0.001) as in init_static_graph_embedding
    embed_weight = jax.random.uniform(k_w, (NUM_ENTITIES, EMBED_DIM), minval=-0.001, maxval=0.001, dtype=jnp.float32)
    return {"inputs": inputs, "embed_weight": embed_weight}


def _max_norm_renorm(emb, max_norm=MAX_NORM, eps=EPS):
    # torch.nn.Embedding(max_norm=1.0) renorms any looked-up row whose L2 norm exceeds max_norm.
    norms = jnp.linalg.norm(emb, axis=-1, keepdims=True)
    scale = jnp.minimum(1.0, max_norm / (norms + eps))
    return emb * scale


def reference(inputs, embed_weight):
    # Embedding lookup (gather) with max_norm clipping
    input_embeds = _max_norm_renorm(jnp.take(embed_weight, inputs, axis=0))
    # objects = input_embeds.narrow(1, 1, L-1); subject = input_embeds.narrow(1, 0, 1).expand_as(objects)
    objects = input_embeds[:, 1:, :]
    subject = jnp.broadcast_to(input_embeds[:, 0:1, :], objects.shape)
    return (subject, objects)


if False:  # reference __main__ guard neutralized (emitter)
    out = reference(**setup_inputs())
    print(out[0].shape, out[1].shape)

if __name__ == "__main__":
    import jax
    _d = setup_inputs()
    print(jax.jit(kernel)(*tuple(_d.values())))

</pallas_src>

<mosaic_0001>
#map = affine_map<(d0, d1) -> (0, 0)>
#map1 = affine_map<(d0, d1) -> (0, 0, 0)>
module attributes {stable_mosaic.version = 14 : i64} {
  func.func @k(%arg0: i32, %arg1: i32, %arg2: memref<1000x128xf32, #tpu.memory_space<hbm>>, %arg3: memref<32x204x128xi32, #tpu.memory_space<hbm>>, %arg4: memref<835584x128xf32, #tpu.memory_space<hbm>>, %arg5: memref<204x128xi32, #tpu.memory_space<vmem>>, %arg6: memref<2x256x128xf32, #tpu.memory_space<vmem>>, %arg7: memref<1000x128xf32, #tpu.memory_space<vmem_shared>>, %arg8: memref<!tpu.dma_semaphore, #tpu.memory_space<semaphore_mem>>, %arg9: memref<!tpu.dma_semaphore, #tpu.memory_space<semaphore_mem>>, %arg10: memref<!tpu.dma_semaphore, #tpu.memory_space<semaphore_mem>>, %arg11: memref<!tpu.dma_semaphore, #tpu.memory_space<semaphore_mem>>) attributes {dimension_semantics = [#tpu.dimension_semantics<core_parallel>, #tpu.dimension_semantics<subcore_parallel>], iteration_bounds = array<i64: 2, 16>, scalar_prefetch = 0 : i64, scratch_operands = 7 : i64, tpu.core_type = #tpu.core_type<sc_vector_subcore>, window_params = [{transform_indices = #map}, {transform_indices = #map1}, {transform_indices = #map}]} {
    %mul3A = arith.constant 2 : i32
    %mul3A_0 = arith.muli %arg1, %mul3A : i32
    %add3A = arith.addi %mul3A_0, %arg0 : i32
    %mul3A_1 = arith.constant 26112 : i32
    %mul3A_2 = arith.muli %add3A, %mul3A_1 : i32
    %eq3A = arith.constant 0 : i32
    %eq3A_3 = arith.cmpi eq, %arg1, %eq3A : i32
    %convert_element_type3A = arith.extui %eq3A_3 : i1 to i32
    %cond3A = arith.constant 0 : i32
    %cond3A_4 = arith.cmpi ne, %convert_element_type3A, %cond3A : i32
    scf.if %cond3A_4 {
      "tpu.region"() ({
        %run_scoped3A = tpu.sem_alloc : memref<!tpu.dma_semaphore, #tpu.memory_space<semaphore_mem>>
        tpu.enqueue_dma source(%arg2 : memref<1000x128xf32, #tpu.memory_space<hbm>>) target(%arg7 : memref<1000x128xf32, #tpu.memory_space<vmem_shared>>) target_semaphore(%run_scoped3A : memref<!tpu.dma_semaphore, #tpu.memory_space<semaphore_mem>>)
        tpu.wait_dma2 semaphore(%run_scoped3A : memref<!tpu.dma_semaphore, #tpu.memory_space<semaphore_mem>>) src(%arg2 : memref<1000x128xf32, #tpu.memory_space<hbm>>) dst(%arg7 : memref<1000x128xf32, #tpu.memory_space<vmem_shared>>)
        tpu.yield
      }) : () -> ()
    } else {
    }
    %barrier3A = arith.constant 0 : index
    tpu.barrier barrier_id(%barrier3A)
    "tpu.region"() ({
      %run_scoped3A = tpu.sem_alloc : memref<!tpu.dma_semaphore, #tpu.memory_space<semaphore_mem>>
      %dma_start3A_52 = arith.constant 0 : i32
      %dma_start3A_53 = arith.constant 0 : i32
      %dma_start3A_54 = tpu.memref_slice %arg3[%add3A, %dma_start3A_52, %dma_start3A_53] : memref<32x204x128xi32, #tpu.memory_space<hbm>> -> memref<1x204x128xi32, #tpu.memory_space<hbm>>
      %dma_start3A_55 = tpu.memref_squeeze %dma_start3A_54 : memref<1x204x128xi32, #tpu.memory_space<hbm>> -> memref<204x128xi32, #tpu.memory_space<hbm>>
      %dma_start3A_56 = arith.constant 0 : i32
      %dma_start3A_57 = arith.constant 0 : i32
      %dma_start3A_58 = tpu.memref_slice %arg3[%add3A, %dma_start3A_56, %dma_start3A_57] : memref<32x204x128xi32, #tpu.memory_space<hbm>> -> memref<1x204x128xi32, #tpu.memory_space<hbm>>
      %dma_start3A_59 = tpu.memref_squeeze %dma_start3A_58 : memref<1x204x128xi32, #tpu.memory_space<hbm>> -> memref<204x128xi32, #tpu.memory_space<hbm>>
      tpu.enqueue_dma source(%dma_start3A_59 : memref<204x128xi32, #tpu.memory_space<hbm>>) target(%arg5 : memref<204x128xi32, #tpu.memory_space<vmem>>) target_semaphore(%run_scoped3A : memref<!tpu.dma_semaphore, #tpu.memory_space<semaphore_mem>>)
      %dma_wait3A_60 = arith.constant 0 : i32
      %dma_wait3A_61 = arith.constant 0 : i32
      %dma_wait3A_62 = tpu.memref_slice %arg3[%add3A, %dma_wait3A_60, %dma_wait3A_61] : memref<32x204x128xi32, #tpu.memory_space<hbm>> -> memref<1x204x128xi32, #tpu.memory_space<hbm>>
      %dma_wait3A_63 = tpu.memref_squeeze %dma_wait3A_62 : memref<1x204x128xi32, #tpu.memory_space<hbm>> -> memref<204x128xi32, #tpu.memory_space<hbm>>
      %dma_wait3A_64 = arith.constant 0 : i32
      %dma_wait3A_65 = arith.constant 0 : i32
      %dma_wait3A_66 = tpu.memref_slice %arg3[%add3A, %dma_wait3A_64, %dma_wait3A_65] : memref<32x204x128xi32, #tpu.memory_space<hbm>> -> memref<1x204x128xi32, #tpu.memory_space<hbm>>
      %dma_wait3A_67 = tpu.memref_squeeze %dma_wait3A_66 : memref<1x204x128xi32, #tpu.memory_space<hbm>> -> memref<204x128xi32, #tpu.memory_space<hbm>>
      tpu.wait_dma2 semaphore(%run_scoped3A : memref<!tpu.dma_semaphore, #tpu.memory_space<semaphore_mem>>) src(%dma_wait3A_67 : memref<204x128xi32, #tpu.memory_space<hbm>>) dst(%arg5 : memref<204x128xi32, #tpu.memory_space<vmem>>)
      tpu.yield
    }) : () -> ()
    %dma_start3A = arith.constant 0 : i32
    %dma_start3A_5 = arith.constant 0 : i32
    %dma_start3A_6 = arith.constant 0 : i32
    %dma_start3A_7 = arith.constant 0 : i32
    %dma_start3A_8 = tpu.memref_slice %arg6[%dma_start3A_5, %dma_start3A_6, %dma_start3A_7] : memref<2x256x128xf32, #tpu.memory_space<vmem>> -> memref<1x256x128xf32, #tpu.memory_space<vmem>>
    %dma_start3A_9 = tpu.memref_squeeze %dma_start3A_8 : memref<1x256x128xf32, #tpu.memory_space<vmem>> -> memref<256x128xf32, #tpu.memory_space<vmem>>
    %dma_start3A_10 = arith.constant 0 : i32
    %dma_start3A_11 = arith.constant 0 : i32
    %dma_start3A_12 = tpu.memref_slice %dma_start3A_9[%dma_start3A_10, %dma_start3A_11] : memref<256x128xf32, #tpu.memory_space<vmem>> -> memref<128x128xf32, #tpu.memory_space<vmem>>
    %dma_start3A_13 = arith.constant 0 : i32
    %dma_start3A_14 = tpu.memref_slice %arg5[%dma_start3A, %dma_start3A_13] : memref<204x128xi32, #tpu.memory_space<vmem>> -> memref<1x128xi32, #tpu.memory_space<vmem>>
    %dma_start3A_15 = tpu.memref_squeeze %dma_start3A_14 : memref<1x128xi32, #tpu.memory_space<vmem>> -> memref<128xi32, #tpu.memory_space<vmem>>
    %dma_start3A_16 = arith.constant 0 : i32
    %dma_start3A_17 = arith.constant 0 : i32
    %dma_start3A_18 = tpu.memref_slice %arg7[%dma_start3A_16, %dma_start3A_17] : memref<1000x128xf32, #tpu.memory_space<vmem_shared>> -> memref<1000x128xf32, #tpu.memory_space<vmem_shared>>
    tpu.enqueue_indirect_dma source(%dma_start3A_18 : memref<1000x128xf32, #tpu.memory_space<vmem_shared>>) target(%dma_start3A_12 : memref<128x128xf32, #tpu.memory_space<vmem>>) offsets(%dma_start3A_15 : memref<128xi32, #tpu.memory_space<vmem>>) semaphore(%arg8 : memref<!tpu.dma_semaphore, #tpu.memory_space<semaphore_mem>>)
    %dma_start3A_19 = arith.constant 1 : i32
    %dma_start3A_20 = arith.constant 0 : i32
    %dma_start3A_21 = arith.constant 0 : i32
    %dma_start3A_22 = arith.constant 0 : i32
    %dma_start3A_23 = tpu.memref_slice %arg6[%dma_start3A_20, %dma_start3A_21, %dma_start3A_22] : memref<2x256x128xf32, #tpu.memory_space<vmem>> -> memref<1x256x128xf32, #tpu.memory_space<vmem>>
    %dma_start3A_24 = tpu.memref_squeeze %dma_start3A_23 : memref<1x256x128xf32, #tpu.memory_space<vmem>> -> memref<256x128xf32, #tpu.memory_space<vmem>>
    %dma_start3A_25 = arith.constant 128 : i32
    %dma_start3A_26 = arith.constant 0 : i32
    %dma_start3A_27 = tpu.memref_slice %dma_start3A_24[%dma_start3A_25, %dma_start3A_26] : memref<256x128xf32, #tpu.memory_space<vmem>> -> memref<128x128xf32, #tpu.memory_space<vmem>>
    %dma_start3A_28 = arith.constant 0 : i32
    %dma_start3A_29 = tpu.memref_slice %arg5[%dma_start3A_19, %dma_start3A_28] : memref<204x128xi32, #tpu.memory_space<vmem>> -> memref<1x128xi32, #tpu.memory_space<vmem>>
    %dma_start3A_30 = tpu.memref_squeeze %dma_start3A_29 : memref<1x128xi32, #tpu.memory_space<vmem>> -> memref<128xi32, #tpu.memory_space<vmem>>
    %dma_start3A_31 = arith.constant 0 : i32
    %dma_start3A_32 = arith.constant 0 : i32
    %dma_start3A_33 = tpu.memref_slice %arg7[%dma_start3A_31, %dma_start3A_32] : memref<1000x128xf32, #tpu.memory_space<vmem_shared>> -> memref<1000x128xf32, #tpu.memory_space<vmem_shared>>
    tpu.enqueue_indirect_dma source(%dma_start3A_33 : memref<1000x128xf32, #tpu.memory_space<vmem_shared>>) target(%dma_start3A_27 : memref<128x128xf32, #tpu.memory_space<vmem>>) offsets(%dma_start3A_30 : memref<128xi32, #tpu.memory_space<vmem>>) semaphore(%arg8 : memref<!tpu.dma_semaphore, #tpu.memory_space<semaphore_mem>>)
    %scan3A = arith.constant 0 : i32
    %scan3A_34 = arith.constant 51 : i32
    %scan3A_35 = arith.addi %scan3A, %scan3A_34 : i32
    %scan3A_36 = arith.constant 1 : i32
    scf.for %scan3A_52 = %scan3A to %scan3A_35 step %scan3A_36  : i32 {
      %mul3A_53 = arith.constant 2 : i32
      %mul3A_54 = arith.muli %scan3A_52, %mul3A_53 : i32
      %add3A_55 = arith.constant 0 : i32
      %add3A_56 = arith.addi %add3A_55, %mul3A_54 : i32
      %add3A_57 = arith.constant 0 : i32
      %add3A_58 = arith.addi %add3A_56, %add3A_57 : i32
      %mul3A_59 = arith.constant 2 : i32
      %mul3A_60 = arith.muli %add3A_58, %mul3A_59 : i32
      %add3A_61 = arith.constant 0 : i32
      %add3A_62 = arith.addi %mul3A_60, %add3A_61 : i32
      %dma_wait3A_63 = arith.constant 0 : i32
      %dma_wait3A_64 = arith.constant 0 : i32
      %dma_wait3A_65 = arith.constant 0 : i32
      %dma_wait3A_66 = tpu.memref_slice %arg6[%dma_wait3A_63, %dma_wait3A_64, %dma_wait3A_65] : memref<2x256x128xf32, #tpu.memory_space<vmem>> -> memref<1x256x128xf32, #tpu.memory_space<vmem>>
      %dma_wait3A_67 = tpu.memref_squeeze %dma_wait3A_66 : memref<1x256x128xf32, #tpu.memory_space<vmem>> -> memref<256x128xf32, #tpu.memory_space<vmem>>
      %dma_wait3A_68 = arith.constant 0 : i32
      %dma_wait3A_69 = arith.constant 0 : i32
      %dma_wait3A_70 = tpu.memref_slice %dma_wait3A_67[%dma_wait3A_68, %dma_wait3A_69] : memref<256x128xf32, #tpu.memory_space<vmem>> -> memref<128x128xf32, #tpu.memory_space<vmem>>
      %dma_wait3A_71 = arith.constant 0 : i32
      %dma_wait3A_72 = tpu.memref_slice %arg5[%add3A_62, %dma_wait3A_71] : memref<204x128xi32, #tpu.memory_space<vmem>> -> memref<1x128xi32, #tpu.memory_space<vmem>>
      %dma_wait3A_73 = tpu.memref_squeeze %dma_wait3A_72 : memref<1x128xi32, #tpu.memory_space<vmem>> -> memref<128xi32, #tpu.memory_space<vmem>>
      %dma_wait3A_74 = arith.constant 0 : i32
      %dma_wait3A_75 = arith.constant 0 : i32
      %dma_wait3A_76 = tpu.memref_slice %arg7[%dma_wait3A_74, %dma_wait3A_75] : memref<1000x128xf32, #tpu.memory_space<vmem_shared>> -> memref<1000x128xf32, #tpu.memory_space<vmem_shared>>
      tpu.wait_indirect_dma semaphore(%arg8 : memref<!tpu.dma_semaphore, #tpu.memory_space<semaphore_mem>>) src(%dma_wait3A_76 : memref<1000x128xf32, #tpu.memory_space<vmem_shared>>) dst(%dma_wait3A_70 : memref<128x128xf32, #tpu.memory_space<vmem>>)
      %mul3A_77 = arith.constant 2 : i32
      %mul3A_78 = arith.muli %add3A_58, %mul3A_77 : i32
      %add3A_79 = arith.constant 1 : i32
      %add3A_80 = arith.addi %mul3A_78, %add3A_79 : i32
      %dma_wait3A_81 = arith.constant 0 : i32
      %dma_wait3A_82 = arith.constant 0 : i32
      %dma_wait3A_83 = arith.constant 0 : i32
      %dma_wait3A_84 = tpu.memref_slice %arg6[%dma_wait3A_81, %dma_wait3A_82, %dma_wait3A_83] : memref<2x256x128xf32, #tpu.memory_space<vmem>> -> memref<1x256x128xf32, #tpu.memory_space<vmem>>
      %dma_wait3A_85 = tpu.memref_squeeze %dma_wait3A_84 : memref<1x256x128xf32, #tpu.memory_space<vmem>> -> memref<256x128xf32, #tpu.memory_space<vmem>>
      %dma_wait3A_86 = arith.constant 128 : i32
      %dma_wait3A_87 = arith.constant 0 : i32
      %dma_wait3A_88 = tpu.memref_slice %dma_wait3A_85[%dma_wait3A_86, %dma_wait3A_87] : memref<256x128xf32, #tpu.memory_space<vmem>> -> memref<128x128xf32, #tpu.memory_space<vmem>>
      %dma_wait3A_89 = arith.constant 0 : i32
      %dma_wait3A_90 = tpu.memref_slice %arg5[%add3A_80, %dma_wait3A_89] : memref<204x128xi32, #tpu.memory_space<vmem>> -> memref<1x128xi32, #tpu.memory_space<vmem>>
      %dma_wait3A_91 = tpu.memref_squeeze %dma_wait3A_90 : memref<1x128xi32, #tpu.memory_space<vmem>> -> memref<128xi32, #tpu.memory_space<vmem>>
      %dma_wait3A_92 = arith.constant 0 : i32
      %dma_wait3A_93 = arith.constant 0 : i32
      %dma_wait3A_94 = tpu.memref_slice %arg7[%dma_wait3A_92, %dma_wait3A_93] : memref<1000x128xf32, #tpu.memory_space<vmem_shared>> -> memref<1000x128xf32, #tpu.memory_space<vmem_shared>>
      tpu.wait_indirect_dma semaphore(%arg8 : memref<!tpu.dma_semaphore, #tpu.memory_space<semaphore_mem>>) src(%dma_wait3A_94 : memref<1000x128xf32, #tpu.memory_space<vmem_shared>>) dst(%dma_wait3A_88 : memref<128x128xf32, #tpu.memory_space<vmem>>)
      %mul3A_95 = arith.constant 256 : i32
      %mul3A_96 = arith.muli %add3A_58, %mul3A_95 : i32
      %add3A_97 = arith.addi %mul3A_2, %mul3A_96 : i32
      %dma_start3A_98 = arith.constant 0 : i32
      %dma_start3A_99 = arith.constant 0 : i32
      %dma_start3A_100 = arith.constant 0 : i32
      %dma_start3A_101 = tpu.memref_slice %arg6[%dma_start3A_98, %dma_start3A_99, %dma_start3A_100] : memref<2x256x128xf32, #tpu.memory_space<vmem>> -> memref<1x256x128xf32, #tpu.memory_space<vmem>>
      %dma_start3A_102 = tpu.memref_squeeze %dma_start3A_101 : memref<1x256x128xf32, #tpu.memory_space<vmem>> -> memref<256x128xf32, #tpu.memory_space<vmem>>
      %dma_start3A_103 = arith.constant 0 : i32
      %dma_start3A_104 = tpu.memref_slice %arg4[%add3A_97, %dma_start3A_103] : memref<835584x128xf32, #tpu.memory_space<hbm>> -> memref<256x128xf32, #tpu.memory_space<hbm>>
      %dma_start3A_105 = arith.constant 0 : i32
      %dma_start3A_106 = tpu.memref_slice %arg4[%add3A_97, %dma_start3A_105] : memref<835584x128xf32, #tpu.memory_space<hbm>> -> memref<256x128xf32, #tpu.memory_space<hbm>>
      %dma_start3A_107 = arith.constant 0 : i32
      %dma_start3A_108 = arith.constant 0 : i32
      %dma_start3A_109 = tpu.memref_slice %arg6[%dma_start3A_98, %dma_start3A_107, %dma_start3A_108] : memref<2x256x128xf32, #tpu.memory_space<vmem>> -> memref<1x256x128xf32, #tpu.memory_space<vmem>>
      %dma_start3A_110 = tpu.memref_squeeze %dma_start3A_109 : memref<1x256x128xf32, #tpu.memory_space<vmem>> -> memref<256x128xf32, #tpu.memory_space<vmem>>
      tpu.enqueue_dma source(%dma_start3A_110 : memref<256x128xf32, #tpu.memory_space<vmem>>) target(%dma_start3A_106 : memref<256x128xf32, #tpu.memory_space<hbm>>) target_semaphore(%arg10 : memref<!tpu.dma_semaphore, #tpu.memory_space<semaphore_mem>>)
      %gt3A = arith.constant 0 : i32
      %gt3A_111 = arith.cmpi sgt, %add3A_58, %gt3A : i32
      %convert_element_type3A_112 = arith.extui %gt3A_111 : i1 to i32
      %cond3A_113 = arith.constant 0 : i32
      %cond3A_114 = arith.cmpi ne, %convert_element_type3A_112, %cond3A_113 : i32
      scf.if %cond3A_114 {
        %sub3A = arith.constant 1 : i32
        %sub3A_187 = arith.subi %add3A_58, %sub3A : i32
        %mul3A_188 = arith.constant 256 : i32
        %mul3A_189 = arith.muli %sub3A_187, %mul3A_188 : i32
        %add3A_190 = arith.addi %mul3A_2, %mul3A_189 : i32
        %dma_wait3A_191 = arith.constant 1 : i32
        %dma_wait3A_192 = arith.constant 0 : i32
        %dma_wait3A_193 = arith.constant 0 : i32
        %dma_wait3A_194 = tpu.memref_slice %arg6[%dma_wait3A_191, %dma_wait3A_192, %dma_wait3A_193] : memref<2x256x128xf32, #tpu.memory_space<vmem>> -> memref<1x256x128xf32, #tpu.memory_space<vmem>>
        %dma_wait3A_195 = tpu.memref_squeeze %dma_wait3A_194 : memref<1x256x128xf32, #tpu.memory_space<vmem>> -> memref<256x128xf32, #tpu.memory_space<vmem>>
        %dma_wait3A_196 = arith.constant 0 : i32
        %dma_wait3A_197 = tpu.memref_slice %arg4[%add3A_190, %dma_wait3A_196] : memref<835584x128xf32, #tpu.memory_space<hbm>> -> memref<256x128xf32, #tpu.memory_space<hbm>>
        %dma_wait3A_198 = arith.constant 0 : i32
        %dma_wait3A_199 = tpu.memref_slice %arg4[%add3A_190, %dma_wait3A_198] : memref<835584x128xf32, #tpu.memory_space<hbm>> -> memref<256x128xf32, #tpu.memory_space<hbm>>
        %dma_wait3A_200 = arith.constant 0 : i32
        %dma_wait3A_201 = arith.constant 0 : i32
        %dma_wait3A_202 = tpu.memref_slice %arg6[%dma_wait3A_191, %dma_wait3A_200, %dma_wait3A_201] : memref<2x256x128xf32, #tpu.memory_space<vmem>> -> memref<1x256x128xf32, #tpu.memory_space<vmem>>
        %dma_wait3A_203 = tpu.memref_squeeze %dma_wait3A_202 : memref<1x256x128xf32, #tpu.memory_space<vmem>> -> memref<256x128xf32, #tpu.memory_space<vmem>>
        tpu.wait_dma2 semaphore(%arg11 : memref<!tpu.dma_semaphore, #tpu.memory_space<semaphore_mem>>) src(%dma_wait3A_203 : memref<256x128xf32, #tpu.memory_space<vmem>>) dst(%dma_wait3A_199 : memref<256x128xf32, #tpu.memory_space<hbm>>)
      } else {
      }
      %add3A_115 = arith.constant 1 : i32
      %add3A_116 = arith.addi %add3A_58, %add3A_115 : i32
      %lt3A = arith.constant 102 : i32
      %lt3A_117 = arith.cmpi slt, %add3A_116, %lt3A : i32
      %convert_element_type3A_118 = arith.extui %lt3A_117 : i1 to i32
      %cond3A_119 = arith.constant 0 : i32
      %cond3A_120 = arith.cmpi ne, %convert_element_type3A_118, %cond3A_119 : i32
      scf.if %cond3A_120 {
        %add3A_187 = arith.constant 1 : i32
        %add3A_188 = arith.addi %add3A_58, %add3A_187 : i32
        %mul3A_189 = arith.constant 2 : i32
        %mul3A_190 = arith.muli %add3A_188, %mul3A_189 : i32
        %add3A_191 = arith.constant 0 : i32
        %add3A_192 = arith.addi %mul3A_190, %add3A_191 : i32
        %dma_start3A_193 = arith.constant 1 : i32
        %dma_start3A_194 = arith.constant 0 : i32
        %dma_start3A_195 = arith.constant 0 : i32
        %dma_start3A_196 = tpu.memref_slice %arg6[%dma_start3A_193, %dma_start3A_194, %dma_start3A_195] : memref<2x256x128xf32, #tpu.memory_space<vmem>> -> memref<1x256x128xf32, #tpu.memory_space<vmem>>
        %dma_start3A_197 = tpu.memref_squeeze %dma_start3A_196 : memref<1x256x128xf32, #tpu.memory_space<vmem>> -> memref<256x128xf32, #tpu.memory_space<vmem>>
        %dma_start3A_198 = arith.constant 0 : i32
        %dma_start3A_199 = arith.constant 0 : i32
        %dma_start3A_200 = tpu.memref_slice %dma_start3A_197[%dma_start3A_198, %dma_start3A_199] : memref<256x128xf32, #tpu.memory_space<vmem>> -> memref<128x128xf32, #tpu.memory_space<vmem>>
        %dma_start3A_201 = arith.constant 0 : i32
        %dma_start3A_202 = tpu.memref_slice %arg5[%add3A_192, %dma_start3A_201] : memref<204x128xi32, #tpu.memory_space<vmem>> -> memref<1x128xi32, #tpu.memory_space<vmem>>
        %dma_start3A_203 = tpu.memref_squeeze %dma_start3A_202 : memref<1x128xi32, #tpu.memory_space<vmem>> -> memref<128xi32, #tpu.memory_space<vmem>>
        %dma_start3A_204 = arith.constant 0 : i32
        %dma_start3A_205 = arith.constant 0 : i32
        %dma_start3A_206 = tpu.memref_slice %arg7[%dma_start3A_204, %dma_start3A_205] : memref<1000x128xf32, #tpu.memory_space<vmem_shared>> -> memref<1000x128xf32, #tpu.memory_space<vmem_shared>>
        tpu.enqueue_indirect_dma source(%dma_start3A_206 : memref<1000x128xf32, #tpu.memory_space<vmem_shared>>) target(%dma_start3A_200 : memref<128x128xf32, #tpu.memory_space<vmem>>) offsets(%dma_start3A_203 : memref<128xi32, #tpu.memory_space<vmem>>) semaphore(%arg9 : memref<!tpu.dma_semaphore, #tpu.memory_space<semaphore_mem>>)
        %add3A_207 = arith.constant 1 : i32
        %add3A_208 = arith.addi %add3A_58, %add3A_207 : i32
        %mul3A_209 = arith.constant 2 : i32
        %mul3A_210 = arith.muli %add3A_208, %mul3A_209 : i32
        %add3A_211 = arith.constant 1 : i32
        %add3A_212 = arith.addi %mul3A_210, %add3A_211 : i32
        %dma_start3A_213 = arith.constant 1 : i32
        %dma_start3A_214 = arith.constant 0 : i32
        %dma_start3A_215 = arith.constant 0 : i32
        %dma_start3A_216 = tpu.memref_slice %arg6[%dma_start3A_213, %dma_start3A_214, %dma_start3A_215] : memref<2x256x128xf32, #tpu.memory_space<vmem>> -> memref<1x256x128xf32, #tpu.memory_space<vmem>>
        %dma_start3A_217 = tpu.memref_squeeze %dma_start3A_216 : memref<1x256x128xf32, #tpu.memory_space<vmem>> -> memref<256x128xf32, #tpu.memory_space<vmem>>
        %dma_start3A_218 = arith.constant 128 : i32
        %dma_start3A_219 = arith.constant 0 : i32
        %dma_start3A_220 = tpu.memref_slice %dma_start3A_217[%dma_start3A_218, %dma_start3A_219] : memref<256x128xf32, #tpu.memory_space<vmem>> -> memref<128x128xf32, #tpu.memory_space<vmem>>
        %dma_start3A_221 = arith.constant 0 : i32
        %dma_start3A_222 = tpu.memref_slice %arg5[%add3A_212, %dma_start3A_221] : memref<204x128xi32, #tpu.memory_space<vmem>> -> memref<1x128xi32, #tpu.memory_space<vmem>>
        %dma_start3A_223 = tpu.memref_squeeze %dma_start3A_222 : memref<1x128xi32, #tpu.memory_space<vmem>> -> memref<128xi32, #tpu.memory_space<vmem>>
        %dma_start3A_224 = arith.constant 0 : i32
        %dma_start3A_225 = arith.constant 0 : i32
        %dma_start3A_226 = tpu.memref_slice %arg7[%dma_start3A_224, %dma_start3A_225] : memref<1000x128xf32, #tpu.memory_space<vmem_shared>> -> memref<1000x128xf32, #tpu.memory_space<vmem_shared>>
        tpu.enqueue_indirect_dma source(%dma_start3A_226 : memref<1000x128xf32, #tpu.memory_space<vmem_shared>>) target(%dma_start3A_220 : memref<128x128xf32, #tpu.memory_space<vmem>>) offsets(%dma_start3A_223 : memref<128xi32, #tpu.memory_space<vmem>>) semaphore(%arg9 : memref<!tpu.dma_semaphore, #tpu.memory_space<semaphore_mem>>)
      } else {
      }
      %add3A_121 = arith.constant 1 : i32
      %add3A_122 = arith.addi %add3A_56, %add3A_121 : i32
      %mul3A_123 = arith.constant 2 : i32
      %mul3A_124 = arith.muli %add3A_122, %mul3A_123 : i32
      %add3A_125 = arith.constant 0 : i32
      %add3A_126 = arith.addi %mul3A_124, %add3A_125 : i32
      %dma_wait3A_127 = arith.constant 1 : i32
      %dma_wait3A_128 = arith.constant 0 : i32
      %dma_wait3A_129 = arith.constant 0 : i32
      %dma_wait3A_130 = tpu.memref_slice %arg6[%dma_wait3A_127, %dma_wait3A_128, %dma_wait3A_129] : memref<2x256x128xf32, #tpu.memory_space<vmem>> -> memref<1x256x128xf32, #tpu.memory_space<vmem>>
      %dma_wait3A_131 = tpu.memref_squeeze %dma_wait3A_130 : memref<1x256x128xf32, #tpu.memory_space<vmem>> -> memref<256x128xf32, #tpu.memory_space<vmem>>
      %dma_wait3A_132 = arith.constant 0 : i32
      %dma_wait3A_133 = arith.constant 0 : i32
      %dma_wait3A_134 = tpu.memref_slice %dma_wait3A_131[%dma_wait3A_132, %dma_wait3A_133] : memref<256x128xf32, #tpu.memory_space<vmem>> -> memref<128x128xf32, #tpu.memory_space<vmem>>
      %dma_wait3A_135 = arith.constant 0 : i32
      %dma_wait3A_136 = tpu.memref_slice %arg5[%add3A_126, %dma_wait3A_135] : memref<204x128xi32, #tpu.memory_space<vmem>> -> memref<1x128xi32, #tpu.memory_space<vmem>>
      %dma_wait3A_137 = tpu.memref_squeeze %dma_wait3A_136 : memref<1x128xi32, #tpu.memory_space<vmem>> -> memref<128xi32, #tpu.memory_space<vmem>>
      %dma_wait3A_138 = arith.constant 0 : i32
      %dma_wait3A_139 = arith.constant 0 : i32
      %dma_wait3A_140 = tpu.memref_slice %arg7[%dma_wait3A_138, %dma_wait3A_139] : memref<1000x128xf32, #tpu.memory_space<vmem_shared>> -> memref<1000x128xf32, #tpu.memory_space<vmem_shared>>
      tpu.wait_indirect_dma semaphore(%arg9 : memref<!tpu.dma_semaphore, #tpu.memory_space<semaphore_mem>>) src(%dma_wait3A_140 : memref<1000x128xf32, #tpu.memory_space<vmem_shared>>) dst(%dma_wait3A_134 : memref<128x128xf32, #tpu.memory_space<vmem>>)
      %mul3A_141 = arith.constant 2 : i32
      %mul3A_142 = arith.muli %add3A_122, %mul3A_141 : i32
      %add3A_143 = arith.constant 1 : i32
      %add3A_144 = arith.addi %mul3A_142, %add3A_143 : i32
      %dma_wait3A_145 = arith.constant 1 : i32
      %dma_wait3A_146 = arith.constant 0 : i32
      %dma_wait3A_147 = arith.constant 0 : i32
      %dma_wait3A_148 = tpu.memref_slice %arg6[%dma_wait3A_145, %dma_wait3A_146, %dma_wait3A_147] : memref<2x256x128xf32, #tpu.memory_space<vmem>> -> memref<1x256x128xf32, #tpu.memory_space<vmem>>
      %dma_wait3A_149 = tpu.memref_squeeze %dma_wait3A_148 : memref<1x256x128xf32, #tpu.memory_space<vmem>> -> memref<256x128xf32, #tpu.memory_space<vmem>>
      %dma_wait3A_150 = arith.constant 128 : i32
      %dma_wait3A_151 = arith.constant 0 : i32
      %dma_wait3A_152 = tpu.memref_slice %dma_wait3A_149[%dma_wait3A_150, %dma_wait3A_151] : memref<256x128xf32, #tpu.memory_space<vmem>> -> memref<128x128xf32, #tpu.memory_space<vmem>>
      %dma_wait3A_153 = arith.constant 0 : i32
      %dma_wait3A_154 = tpu.memref_slice %arg5[%add3A_144, %dma_wait3A_153] : memref<204x128xi32, #tpu.memory_space<vmem>> -> memref<1x128xi32, #tpu.memory_space<vmem>>
      %dma_wait3A_155 = tpu.memref_squeeze %dma_wait3A_154 : memref<1x128xi32, #tpu.memory_space<vmem>> -> memref<128xi32, #tpu.memory_space<vmem>>
      %dma_wait3A_156 = arith.constant 0 : i32
      %dma_wait3A_157 = arith.constant 0 : i32
      %dma_wait3A_158 = tpu.memref_slice %arg7[%dma_wait3A_156, %dma_wait3A_157] : memref<1000x128xf32, #tpu.memory_space<vmem_shared>> -> memref<1000x128xf32, #tpu.memory_space<vmem_shared>>
      tpu.wait_indirect_dma semaphore(%arg9 : memref<!tpu.dma_semaphore, #tpu.memory_space<semaphore_mem>>) src(%dma_wait3A_158 : memref<1000x128xf32, #tpu.memory_space<vmem_shared>>) dst(%dma_wait3A_152 : memref<128x128xf32, #tpu.memory_space<vmem>>)
      %mul3A_159 = arith.constant 256 : i32
      %mul3A_160 = arith.muli %add3A_122, %mul3A_159 : i32
      %add3A_161 = arith.addi %mul3A_2, %mul3A_160 : i32
      %dma_start3A_162 = arith.constant 1 : i32
      %dma_start3A_163 = arith.constant 0 : i32
      %dma_start3A_164 = arith.constant 0 : i32
      %dma_start3A_165 = tpu.memref_slice %arg6[%dma_start3A_162, %dma_start3A_163, %dma_start3A_164] : memref<2x256x128xf32, #tpu.memory_space<vmem>> -> memref<1x256x128xf32, #tpu.memory_space<vmem>>
      %dma_start3A_166 = tpu.memref_squeeze %dma_start3A_165 : memref<1x256x128xf32, #tpu.memory_space<vmem>> -> memref<256x128xf32, #tpu.memory_space<vmem>>
      %dma_start3A_167 = arith.constant 0 : i32
      %dma_start3A_168 = tpu.memref_slice %arg4[%add3A_161, %dma_start3A_167] : memref<835584x128xf32, #tpu.memory_space<hbm>> -> memref<256x128xf32, #tpu.memory_space<hbm>>
      %dma_start3A_169 = arith.constant 0 : i32
      %dma_start3A_170 = tpu.memref_slice %arg4[%add3A_161, %dma_start3A_169] : memref<835584x128xf32, #tpu.memory_space<hbm>> -> memref<256x128xf32, #tpu.memory_space<hbm>>
      %dma_start3A_171 = arith.constant 0 : i32
      %dma_start3A_172 = arith.constant 0 : i32
      %dma_start3A_173 = tpu.memref_slice %arg6[%dma_start3A_162, %dma_start3A_171, %dma_start3A_172] : memref<2x256x128xf32, #tpu.memory_space<vmem>> -> memref<1x256x128xf32, #tpu.memory_space<vmem>>
      %dma_start3A_174 = tpu.memref_squeeze %dma_start3A_173 : memref<1x256x128xf32, #tpu.memory_space<vmem>> -> memref<256x128xf32, #tpu.memory_space<vmem>>
      tpu.enqueue_dma source(%dma_start3A_174 : memref<256x128xf32, #tpu.memory_space<vmem>>) target(%dma_start3A_170 : memref<256x128xf32, #tpu.memory_space<hbm>>) target_semaphore(%arg11 : memref<!tpu.dma_semaphore, #tpu.memory_space<semaphore_mem>>)
      %gt3A_175 = arith.constant 0 : i32
      %gt3A_176 = arith.cmpi sgt, %add3A_122, %gt3A_175 : i32
      %convert_element_type3A_177 = arith.extui %gt3A_176 : i1 to i32
      %cond3A_178 = arith.constant 0 : i32
      %cond3A_179 = arith.cmpi ne, %convert_element_type3A_177, %cond3A_178 : i32
      scf.if %cond3A_179 {
        %sub3A = arith.constant 1 : i32
        %sub3A_187 = arith.subi %add3A_122, %sub3A : i32
        %mul3A_188 = arith.constant 256 : i32
        %mul3A_189 = arith.muli %sub3A_187, %mul3A_188 : i32
        %add3A_190 = arith.addi %mul3A_2, %mul3A_189 : i32
        %dma_wait3A_191 = arith.constant 0 : i32
        %dma_wait3A_192 = arith.constant 0 : i32
        %dma_wait3A_193 = arith.constant 0 : i32
        %dma_wait3A_194 = tpu.memref_slice %arg6[%dma_wait3A_191, %dma_wait3A_192, %dma_wait3A_193] : memref<2x256x128xf32, #tpu.memory_space<vmem>> -> memref<1x256x128xf32, #tpu.memory_space<vmem>>
        %dma_wait3A_195 = tpu.memref_squeeze %dma_wait3A_194 : memref<1x256x128xf32, #tpu.memory_space<vmem>> -> memref<256x128xf32, #tpu.memory_space<vmem>>
        %dma_wait3A_196 = arith.constant 0 : i32
        %dma_wait3A_197 = tpu.memref_slice %arg4[%add3A_190, %dma_wait3A_196] : memref<835584x128xf32, #tpu.memory_space<hbm>> -> memref<256x128xf32, #tpu.memory_space<hbm>>
        %dma_wait3A_198 = arith.constant 0 : i32
        %dma_wait3A_199 = tpu.memref_slice %arg4[%add3A_190, %dma_wait3A_198] : memref<835584x128xf32, #tpu.memory_space<hbm>> -> memref<256x128xf32, #tpu.memory_space<hbm>>
        %dma_wait3A_200 = arith.constant 0 : i32
        %dma_wait3A_201 = arith.constant 0 : i32
        %dma_wait3A_202 = tpu.memref_slice %arg6[%dma_wait3A_191, %dma_wait3A_200, %dma_wait3A_201] : memref<2x256x128xf32, #tpu.memory_space<vmem>> -> memref<1x256x128xf32, #tpu.memory_space<vmem>>
        %dma_wait3A_203 = tpu.memref_squeeze %dma_wait3A_202 : memref<1x256x128xf32, #tpu.memory_space<vmem>> -> memref<256x128xf32, #tpu.memory_space<vmem>>
        tpu.wait_dma2 semaphore(%arg10 : memref<!tpu.dma_semaphore, #tpu.memory_space<semaphore_mem>>) src(%dma_wait3A_203 : memref<256x128xf32, #tpu.memory_space<vmem>>) dst(%dma_wait3A_199 : memref<256x128xf32, #tpu.memory_space<hbm>>)
      } else {
      }
      %add3A_180 = arith.constant 1 : i32
      %add3A_181 = arith.addi %add3A_122, %add3A_180 : i32
      %lt3A_182 = arith.constant 102 : i32
      %lt3A_183 = arith.cmpi slt, %add3A_181, %lt3A_182 : i32
      %convert_element_type3A_184 = arith.extui %lt3A_183 : i1 to i32
      %cond3A_185 = arith.constant 0 : i32
      %cond3A_186 = arith.cmpi ne, %convert_element_type3A_184, %cond3A_185 : i32
      scf.if %cond3A_186 {
        %add3A_187 = arith.constant 1 : i32
        %add3A_188 = arith.addi %add3A_122, %add3A_187 : i32
        %mul3A_189 = arith.constant 2 : i32
        %mul3A_190 = arith.muli %add3A_188, %mul3A_189 : i32
        %add3A_191 = arith.constant 0 : i32
        %add3A_192 = arith.addi %mul3A_190, %add3A_191 : i32
        %dma_start3A_193 = arith.constant 0 : i32
        %dma_start3A_194 = arith.constant 0 : i32
        %dma_start3A_195 = arith.constant 0 : i32
        %dma_start3A_196 = tpu.memref_slice %arg6[%dma_start3A_193, %dma_start3A_194, %dma_start3A_195] : memref<2x256x128xf32, #tpu.memory_space<vmem>> -> memref<1x256x128xf32, #tpu.memory_space<vmem>>
        %dma_start3A_197 = tpu.memref_squeeze %dma_start3A_196 : memref<1x256x128xf32, #tpu.memory_space<vmem>> -> memref<256x128xf32, #tpu.memory_space<vmem>>
        %dma_start3A_198 = arith.constant 0 : i32
        %dma_start3A_199 = arith.constant 0 : i32
        %dma_start3A_200 = tpu.memref_slice %dma_start3A_197[%dma_start3A_198, %dma_start3A_199] : memref<256x128xf32, #tpu.memory_space<vmem>> -> memref<128x128xf32, #tpu.memory_space<vmem>>
        %dma_start3A_201 = arith.constant 0 : i32
        %dma_start3A_202 = tpu.memref_slice %arg5[%add3A_192, %dma_start3A_201] : memref<204x128xi32, #tpu.memory_space<vmem>> -> memref<1x128xi32, #tpu.memory_space<vmem>>
        %dma_start3A_203 = tpu.memref_squeeze %dma_start3A_202 : memref<1x128xi32, #tpu.memory_space<vmem>> -> memref<128xi32, #tpu.memory_space<vmem>>
        %dma_start3A_204 = arith.constant 0 : i32
        %dma_start3A_205 = arith.constant 0 : i32
        %dma_start3A_206 = tpu.memref_slice %arg7[%dma_start3A_204, %dma_start3A_205] : memref<1000x128xf32, #tpu.memory_space<vmem_shared>> -> memref<1000x128xf32, #tpu.memory_space<vmem_shared>>
        tpu.enqueue_indirect_dma source(%dma_start3A_206 : memref<1000x128xf32, #tpu.memory_space<vmem_shared>>) target(%dma_start3A_200 : memref<128x128xf32, #tpu.memory_space<vmem>>) offsets(%dma_start3A_203 : memref<128xi32, #tpu.memory_space<vmem>>) semaphore(%arg8 : memref<!tpu.dma_semaphore, #tpu.memory_space<semaphore_mem>>)
        %add3A_207 = arith.constant 1 : i32
        %add3A_208 = arith.addi %add3A_122, %add3A_207 : i32
        %mul3A_209 = arith.constant 2 : i32
        %mul3A_210 = arith.muli %add3A_208, %mul3A_209 : i32
        %add3A_211 = arith.constant 1 : i32
        %add3A_212 = arith.addi %mul3A_210, %add3A_211 : i32
        %dma_start3A_213 = arith.constant 0 : i32
        %dma_start3A_214 = arith.constant 0 : i32
        %dma_start3A_215 = arith.constant 0 : i32
        %dma_start3A_216 = tpu.memref_slice %arg6[%dma_start3A_213, %dma_start3A_214, %dma_start3A_215] : memref<2x256x128xf32, #tpu.memory_space<vmem>> -> memref<1x256x128xf32, #tpu.memory_space<vmem>>
        %dma_start3A_217 = tpu.memref_squeeze %dma_start3A_216 : memref<1x256x128xf32, #tpu.memory_space<vmem>> -> memref<256x128xf32, #tpu.memory_space<vmem>>
        %dma_start3A_218 = arith.constant 128 : i32
        %dma_start3A_219 = arith.constant 0 : i32
        %dma_start3A_220 = tpu.memref_slice %dma_start3A_217[%dma_start3A_218, %dma_start3A_219] : memref<256x128xf32, #tpu.memory_space<vmem>> -> memref<128x128xf32, #tpu.memory_space<vmem>>
        %dma_start3A_221 = arith.constant 0 : i32
        %dma_start3A_222 = tpu.memref_slice %arg5[%add3A_212, %dma_start3A_221] : memref<204x128xi32, #tpu.memory_space<vmem>> -> memref<1x128xi32, #tpu.memory_space<vmem>>
        %dma_start3A_223 = tpu.memref_squeeze %dma_start3A_222 : memref<1x128xi32, #tpu.memory_space<vmem>> -> memref<128xi32, #tpu.memory_space<vmem>>
        %dma_start3A_224 = arith.constant 0 : i32
        %dma_start3A_225 = arith.constant 0 : i32
        %dma_start3A_226 = tpu.memref_slice %arg7[%dma_start3A_224, %dma_start3A_225] : memref<1000x128xf32, #tpu.memory_space<vmem_shared>> -> memref<1000x128xf32, #tpu.memory_space<vmem_shared>>
        tpu.enqueue_indirect_dma source(%dma_start3A_226 : memref<1000x128xf32, #tpu.memory_space<vmem_shared>>) target(%dma_start3A_220 : memref<128x128xf32, #tpu.memory_space<vmem>>) offsets(%dma_start3A_223 : memref<128xi32, #tpu.memory_space<vmem>>) semaphore(%arg8 : memref<!tpu.dma_semaphore, #tpu.memory_space<semaphore_mem>>)
      } else {
      }
    }
    %scan3A_37 = arith.constant 51 : i32
    %add3A_38 = arith.constant 25856 : i32
    %add3A_39 = arith.addi %mul3A_2, %add3A_38 : i32
    %dma_wait3A = arith.constant 1 : i32
    %dma_wait3A_40 = arith.constant 0 : i32
    %dma_wait3A_41 = arith.constant 0 : i32
    %dma_wait3A_42 = tpu.memref_slice %arg6[%dma_wait3A, %dma_wait3A_40, %dma_wait3A_41] : memref<2x256x128xf32, #tpu.memory_space<vmem>> -> memref<1x256x128xf32, #tpu.memory_space<vmem>>
    %dma_wait3A_43 = tpu.memref_squeeze %dma_wait3A_42 : memref<1x256x128xf32, #tpu.memory_space<vmem>> -> memref<256x128xf32, #tpu.memory_space<vmem>>
    %dma_wait3A_44 = arith.constant 0 : i32
    %dma_wait3A_45 = tpu.memref_slice %arg4[%add3A_39, %dma_wait3A_44] : memref<835584x128xf32, #tpu.memory_space<hbm>> -> memref<256x128xf32, #tpu.memory_space<hbm>>
    %dma_wait3A_46 = arith.constant 0 : i32
    %dma_wait3A_47 = tpu.memref_slice %arg4[%add3A_39, %dma_wait3A_46] : memref<835584x128xf32, #tpu.memory_space<hbm>> -> memref<256x128xf32, #tpu.memory_space<hbm>>
    %dma_wait3A_48 = arith.constant 0 : i32
    %dma_wait3A_49 = arith.constant 0 : i32
    %dma_wait3A_50 = tpu.memref_slice %arg6[%dma_wait3A, %dma_wait3A_48, %dma_wait3A_49] : memref<2x256x128xf32, #tpu.memory_space<vmem>> -> memref<1x256x128xf32, #tpu.memory_space<vmem>>
    %dma_wait3A_51 = tpu.memref_squeeze %dma_wait3A_50 : memref<1x256x128xf32, #tpu.memory_space<vmem>> -> memref<256x128xf32, #tpu.memory_space<vmem>>
    tpu.wait_dma2 semaphore(%arg11 : memref<!tpu.dma_semaphore, #tpu.memory_space<semaphore_mem>>) src(%dma_wait3A_51 : memref<256x128xf32, #tpu.memory_space<vmem>>) dst(%dma_wait3A_47 : memref<256x128xf32, #tpu.memory_space<hbm>>)
    return
  }
}

#map = affine_map<(d0, d1) -> (0, 0)>
#map1 = affine_map<(d0, d1) -> (0, 0, 0)>
module attributes {stable_mosaic.version = 14 : i64} {
  func.func @k(%arg0: i32, %arg1: i32, %arg2: memref<1000x128xf32, #tpu.memory_space<hbm>>, %arg3: memref<32x4x128xi32, #tpu.memory_space<hbm>>, %arg4: memref<16384x128xf32, #tpu.memory_space<hbm>>, %arg5: memref<4x128xi32, #tpu.memory_space<vmem>>, %arg6: memref<512x128xf32, #tpu.memory_space<vmem>>, %arg7: memref<1000x128xf32, #tpu.memory_space<vmem_shared>>, %arg8: memref<!tpu.dma_semaphore, #tpu.memory_space<semaphore_mem>>) attributes {dimension_semantics = [#tpu.dimension_semantics<core_parallel>, #tpu.dimension_semantics<subcore_parallel>], iteration_bounds = array<i64: 2, 16>, scalar_prefetch = 0 : i64, scratch_operands = 4 : i64, tpu.core_type = #tpu.core_type<sc_vector_subcore>, window_params = [{transform_indices = #map}, {transform_indices = #map1}, {transform_indices = #map}]} {
    %mul3A = arith.constant 2 : i32
    %mul3A_0 = arith.muli %arg1, %mul3A : i32
    %add3A = arith.addi %mul3A_0, %arg0 : i32
    %mul3A_1 = arith.constant 512 : i32
    %mul3A_2 = arith.muli %add3A, %mul3A_1 : i32
    %eq3A = arith.constant 0 : i32
    %eq3A_3 = arith.cmpi eq, %arg1, %eq3A : i32
    %convert_element_type3A = arith.extui %eq3A_3 : i1 to i32
    %cond3A = arith.constant 0 : i32
    %cond3A_4 = arith.cmpi ne, %convert_element_type3A, %cond3A : i32
    scf.if %cond3A_4 {
      "tpu.region"() ({
        %run_scoped3A = tpu.sem_alloc : memref<!tpu.dma_semaphore, #tpu.memory_space<semaphore_mem>>
        tpu.enqueue_dma source(%arg2 : memref<1000x128xf32, #tpu.memory_space<hbm>>) target(%arg7 : memref<1000x128xf32, #tpu.memory_space<vmem_shared>>) target_semaphore(%run_scoped3A : memref<!tpu.dma_semaphore, #tpu.memory_space<semaphore_mem>>)
        tpu.wait_dma2 semaphore(%run_scoped3A : memref<!tpu.dma_semaphore, #tpu.memory_space<semaphore_mem>>) src(%arg2 : memref<1000x128xf32, #tpu.memory_space<hbm>>) dst(%arg7 : memref<1000x128xf32, #tpu.memory_space<vmem_shared>>)
        tpu.yield
      }) : () -> ()
    } else {
    }
    %barrier3A = arith.constant 0 : index
    tpu.barrier barrier_id(%barrier3A)
    "tpu.region"() ({
      %run_scoped3A = tpu.sem_alloc : memref<!tpu.dma_semaphore, #tpu.memory_space<semaphore_mem>>
      %dma_start3A_83 = arith.constant 0 : i32
      %dma_start3A_84 = arith.constant 0 : i32
      %dma_start3A_85 = tpu.memref_slice %arg3[%add3A, %dma_start3A_83, %dma_start3A_84] : memref<32x4x128xi32, #tpu.memory_space<hbm>> -> memref<1x4x128xi32, #tpu.memory_space<hbm>>
      %dma_start3A_86 = tpu.memref_squeeze %dma_start3A_85 : memref<1x4x128xi32, #tpu.memory_space<hbm>> -> memref<4x128xi32, #tpu.memory_space<hbm>>
      %dma_start3A_87 = arith.constant 0 : i32
      %dma_start3A_88 = arith.constant 0 : i32
      %dma_start3A_89 = tpu.memref_slice %arg3[%add3A, %dma_start3A_87, %dma_start3A_88] : memref<32x4x128xi32, #tpu.memory_space<hbm>> -> memref<1x4x128xi32, #tpu.memory_space<hbm>>
      %dma_start3A_90 = tpu.memref_squeeze %dma_start3A_89 : memref<1x4x128xi32, #tpu.memory_space<hbm>> -> memref<4x128xi32, #tpu.memory_space<hbm>>
      tpu.enqueue_dma source(%dma_start3A_90 : memref<4x128xi32, #tpu.memory_space<hbm>>) target(%arg5 : memref<4x128xi32, #tpu.memory_space<vmem>>) target_semaphore(%run_scoped3A : memref<!tpu.dma_semaphore, #tpu.memory_space<semaphore_mem>>)
      %dma_wait3A_91 = arith.constant 0 : i32
      %dma_wait3A_92 = arith.constant 0 : i32
      %dma_wait3A_93 = tpu.memref_slice %arg3[%add3A, %dma_wait3A_91, %dma_wait3A_92] : memref<32x4x128xi32, #tpu.memory_space<hbm>> -> memref<1x4x128xi32, #tpu.memory_space<hbm>>
      %dma_wait3A_94 = tpu.memref_squeeze %dma_wait3A_93 : memref<1x4x128xi32, #tpu.memory_space<hbm>> -> memref<4x128xi32, #tpu.memory_space<hbm>>
      %dma_wait3A_95 = arith.constant 0 : i32
      %dma_wait3A_96 = arith.constant 0 : i32
      %dma_wait3A_97 = tpu.memref_slice %arg3[%add3A, %dma_wait3A_95, %dma_wait3A_96] : memref<32x4x128xi32, #tpu.memory_space<hbm>> -> memref<1x4x128xi32, #tpu.memory_space<hbm>>
      %dma_wait3A_98 = tpu.memref_squeeze %dma_wait3A_97 : memref<1x4x128xi32, #tpu.memory_space<hbm>> -> memref<4x128xi32, #tpu.memory_space<hbm>>
      tpu.wait_dma2 semaphore(%run_scoped3A : memref<!tpu.dma_semaphore, #tpu.memory_space<semaphore_mem>>) src(%dma_wait3A_98 : memref<4x128xi32, #tpu.memory_space<hbm>>) dst(%arg5 : memref<4x128xi32, #tpu.memory_space<vmem>>)
      tpu.yield
    }) : () -> ()
    %dma_start3A = arith.constant 0 : i32
    %dma_start3A_5 = arith.constant 0 : i32
    %dma_start3A_6 = arith.constant 0 : i32
    %dma_start3A_7 = tpu.memref_slice %arg6[%dma_start3A_5, %dma_start3A_6] : memref<512x128xf32, #tpu.memory_space<vmem>> -> memref<128x128xf32, #tpu.memory_space<vmem>>
    %dma_start3A_8 = arith.constant 0 : i32
    %dma_start3A_9 = tpu.memref_slice %arg5[%dma_start3A, %dma_start3A_8] : memref<4x128xi32, #tpu.memory_space<vmem>> -> memref<1x128xi32, #tpu.memory_space<vmem>>
    %dma_start3A_10 = tpu.memref_squeeze %dma_start3A_9 : memref<1x128xi32, #tpu.memory_space<vmem>> -> memref<128xi32, #tpu.memory_space<vmem>>
    %dma_start3A_11 = arith.constant 0 : i32
    %dma_start3A_12 = arith.constant 0 : i32
    %dma_start3A_13 = tpu.memref_slice %arg7[%dma_start3A_11, %dma_start3A_12] : memref<1000x128xf32, #tpu.memory_space<vmem_shared>> -> memref<1000x128xf32, #tpu.memory_space<vmem_shared>>
    tpu.enqueue_indirect_dma source(%dma_start3A_13 : memref<1000x128xf32, #tpu.memory_space<vmem_shared>>) target(%dma_start3A_7 : memref<128x128xf32, #tpu.memory_space<vmem>>) offsets(%dma_start3A_10 : memref<128xi32, #tpu.memory_space<vmem>>) semaphore(%arg8 : memref<!tpu.dma_semaphore, #tpu.memory_space<semaphore_mem>>)
    %dma_start3A_14 = arith.constant 1 : i32
    %dma_start3A_15 = arith.constant 128 : i32
    %dma_start3A_16 = arith.constant 0 : i32
    %dma_start3A_17 = tpu.memref_slice %arg6[%dma_start3A_15, %dma_start3A_16] : memref<512x128xf32, #tpu.memory_space<vmem>> -> memref<128x128xf32, #tpu.memory_space<vmem>>
    %dma_start3A_18 = arith.constant 0 : i32
    %dma_start3A_19 = tpu.memref_slice %arg5[%dma_start3A_14, %dma_start3A_18] : memref<4x128xi32, #tpu.memory_space<vmem>> -> memref<1x128xi32, #tpu.memory_space<vmem>>
    %dma_start3A_20 = tpu.memref_squeeze %dma_start3A_19 : memref<1x128xi32, #tpu.memory_space<vmem>> -> memref<128xi32, #tpu.memory_space<vmem>>
    %dma_start3A_21 = arith.constant 0 : i32
    %dma_start3A_22 = arith.constant 0 : i32
    %dma_start3A_23 = tpu.memref_slice %arg7[%dma_start3A_21, %dma_start3A_22] : memref<1000x128xf32, #tpu.memory_space<vmem_shared>> -> memref<1000x128xf32, #tpu.memory_space<vmem_shared>>
    tpu.enqueue_indirect_dma source(%dma_start3A_23 : memref<1000x128xf32, #tpu.memory_space<vmem_shared>>) target(%dma_start3A_17 : memref<128x128xf32, #tpu.memory_space<vmem>>) offsets(%dma_start3A_20 : memref<128xi32, #tpu.memory_space<vmem>>) semaphore(%arg8 : memref<!tpu.dma_semaphore, #tpu.memory_space<semaphore_mem>>)
    %dma_start3A_24 = arith.constant 2 : i32
    %dma_start3A_25 = arith.constant 256 : i32
    %dma_start3A_26 = arith.constant 0 : i32
    %dma_start3A_27 = tpu.memref_slice %arg6[%dma_start3A_25, %dma_start3A_26] : memref<512x128xf32, #tpu.memory_space<vmem>> -> memref<128x128xf32, #tpu.memory_space<vmem>>
    %dma_start3A_28 = arith.constant 0 : i32
    %dma_start3A_29 = tpu.memref_slice %arg5[%dma_start3A_24, %dma_start3A_28] : memref<4x128xi32, #tpu.memory_space<vmem>> -> memref<1x128xi32, #tpu.memory_space<vmem>>
    %dma_start3A_30 = tpu.memref_squeeze %dma_start3A_29 : memref<1x128xi32, #tpu.memory_space<vmem>> -> memref<128xi32, #tpu.memory_space<vmem>>
    %dma_start3A_31 = arith.constant 0 : i32
    %dma_start3A_32 = arith.constant 0 : i32
    %dma_start3A_33 = tpu.memref_slice %arg7[%dma_start3A_31, %dma_start3A_32] : memref<1000x128xf32, #tpu.memory_space<vmem_shared>> -> memref<1000x128xf32, #tpu.memory_space<vmem_shared>>
    tpu.enqueue_indirect_dma source(%dma_start3A_33 : memref<1000x128xf32, #tpu.memory_space<vmem_shared>>) target(%dma_start3A_27 : memref<128x128xf32, #tpu.memory_space<vmem>>) offsets(%dma_start3A_30 : memref<128xi32, #tpu.memory_space<vmem>>) semaphore(%arg8 : memref<!tpu.dma_semaphore, #tpu.memory_space<semaphore_mem>>)
    %dma_start3A_34 = arith.constant 3 : i32
    %dma_start3A_35 = arith.constant 384 : i32
    %dma_start3A_36 = arith.constant 0 : i32
    %dma_start3A_37 = tpu.memref_slice %arg6[%dma_start3A_35, %dma_start3A_36] : memref<512x128xf32, #tpu.memory_space<vmem>> -> memref<128x128xf32, #tpu.memory_space<vmem>>
    %dma_start3A_38 = arith.constant 0 : i32
    %dma_start3A_39 = tpu.memref_slice %arg5[%dma_start3A_34, %dma_start3A_38] : memref<4x128xi32, #tpu.memory_space<vmem>> -> memref<1x128xi32, #tpu.memory_space<vmem>>
    %dma_start3A_40 = tpu.memref_squeeze %dma_start3A_39 : memref<1x128xi32, #tpu.memory_space<vmem>> -> memref<128xi32, #tpu.memory_space<vmem>>
    %dma_start3A_41 = arith.constant 0 : i32
    %dma_start3A_42 = arith.constant 0 : i32
    %dma_start3A_43 = tpu.memref_slice %arg7[%dma_start3A_41, %dma_start3A_42] : memref<1000x128xf32, #tpu.memory_space<vmem_shared>> -> memref<1000x128xf32, #tpu.memory_space<vmem_shared>>
    tpu.enqueue_indirect_dma source(%dma_start3A_43 : memref<1000x128xf32, #tpu.memory_space<vmem_shared>>) target(%dma_start3A_37 : memref<128x128xf32, #tpu.memory_space<vmem>>) offsets(%dma_start3A_40 : memref<128xi32, #tpu.memory_space<vmem>>) semaphore(%arg8 : memref<!tpu.dma_semaphore, #tpu.memory_space<semaphore_mem>>)
    %dma_wait3A = arith.constant 0 : i32
    %dma_wait3A_44 = arith.constant 0 : i32
    %dma_wait3A_45 = arith.constant 0 : i32
    %dma_wait3A_46 = tpu.memref_slice %arg6[%dma_wait3A_44, %dma_wait3A_45] : memref<512x128xf32, #tpu.memory_space<vmem>> -> memref<128x128xf32, #tpu.memory_space<vmem>>
    %dma_wait3A_47 = arith.constant 0 : i32
    %dma_wait3A_48 = tpu.memref_slice %arg5[%dma_wait3A, %dma_wait3A_47] : memref<4x128xi32, #tpu.memory_space<vmem>> -> memref<1x128xi32, #tpu.memory_space<vmem>>
    %dma_wait3A_49 = tpu.memref_squeeze %dma_wait3A_48 : memref<1x128xi32, #tpu.memory_space<vmem>> -> memref<128xi32, #tpu.memory_space<vmem>>
    %dma_wait3A_50 = arith.constant 0 : i32
    %dma_wait3A_51 = arith.constant 0 : i32
    %dma_wait3A_52 = tpu.memref_slice %arg7[%dma_wait3A_50, %dma_wait3A_51] : memref<1000x128xf32, #tpu.memory_space<vmem_shared>> -> memref<1000x128xf32, #tpu.memory_space<vmem_shared>>
    tpu.wait_indirect_dma semaphore(%arg8 : memref<!tpu.dma_semaphore, #tpu.memory_space<semaphore_mem>>) src(%dma_wait3A_52 : memref<1000x128xf32, #tpu.memory_space<vmem_shared>>) dst(%dma_wait3A_46 : memref<128x128xf32, #tpu.memory_space<vmem>>)
    %dma_wait3A_53 = arith.constant 1 : i32
    %dma_wait3A_54 = arith.constant 128 : i32
    %dma_wait3A_55 = arith.constant 0 : i32
    %dma_wait3A_56 = tpu.memref_slice %arg6[%dma_wait3A_54, %dma_wait3A_55] : memref<512x128xf32, #tpu.memory_space<vmem>> -> memref<128x128xf32, #tpu.memory_space<vmem>>
    %dma_wait3A_57 = arith.constant 0 : i32
    %dma_wait3A_58 = tpu.memref_slice %arg5[%dma_wait3A_53, %dma_wait3A_57] : memref<4x128xi32, #tpu.memory_space<vmem>> -> memref<1x128xi32, #tpu.memory_space<vmem>>
    %dma_wait3A_59 = tpu.memref_squeeze %dma_wait3A_58 : memref<1x128xi32, #tpu.memory_space<vmem>> -> memref<128xi32, #tpu.memory_space<vmem>>
    %dma_wait3A_60 = arith.constant 0 : i32
    %dma_wait3A_61 = arith.constant 0 : i32
    %dma_wait3A_62 = tpu.memref_slice %arg7[%dma_wait3A_60, %dma_wait3A_61] : memref<1000x128xf32, #tpu.memory_space<vmem_shared>> -> memref<1000x128xf32, #tpu.memory_space<vmem_shared>>
    tpu.wait_indirect_dma semaphore(%arg8 : memref<!tpu.dma_semaphore, #tpu.memory_space<semaphore_mem>>) src(%dma_wait3A_62 : memref<1000x128xf32, #tpu.memory_space<vmem_shared>>) dst(%dma_wait3A_56 : memref<128x128xf32, #tpu.memory_space<vmem>>)
    %dma_wait3A_63 = arith.constant 2 : i32
    %dma_wait3A_64 = arith.constant 256 : i32
    %dma_wait3A_65 = arith.constant 0 : i32
    %dma_wait3A_66 = tpu.memref_slice %arg6[%dma_wait3A_64, %dma_wait3A_65] : memref<512x128xf32, #tpu.memory_space<vmem>> -> memref<128x128xf32, #tpu.memory_space<vmem>>
    %dma_wait3A_67 = arith.constant 0 : i32
    %dma_wait3A_68 = tpu.memref_slice %arg5[%dma_wait3A_63, %dma_wait3A_67] : memref<4x128xi32, #tpu.memory_space<vmem>> -> memref<1x128xi32, #tpu.memory_space<vmem>>
    %dma_wait3A_69 = tpu.memref_squeeze %dma_wait3A_68 : memref<1x128xi32, #tpu.memory_space<vmem>> -> memref<128xi32, #tpu.memory_space<vmem>>
    %dma_wait3A_70 = arith.constant 0 : i32
    %dma_wait3A_71 = arith.constant 0 : i32
    %dma_wait3A_72 = tpu.memref_slice %arg7[%dma_wait3A_70, %dma_wait3A_71] : memref<1000x128xf32, #tpu.memory_space<vmem_shared>> -> memref<1000x128xf32, #tpu.memory_space<vmem_shared>>
    tpu.wait_indirect_dma semaphore(%arg8 : memref<!tpu.dma_semaphore, #tpu.memory_space<semaphore_mem>>) src(%dma_wait3A_72 : memref<1000x128xf32, #tpu.memory_space<vmem_shared>>) dst(%dma_wait3A_66 : memref<128x128xf32, #tpu.memory_space<vmem>>)
    %dma_wait3A_73 = arith.constant 3 : i32
    %dma_wait3A_74 = arith.constant 384 : i32
    %dma_wait3A_75 = arith.constant 0 : i32
    %dma_wait3A_76 = tpu.memref_slice %arg6[%dma_wait3A_74, %dma_wait3A_75] : memref<512x128xf32, #tpu.memory_space<vmem>> -> memref<128x128xf32, #tpu.memory_space<vmem>>
    %dma_wait3A_77 = arith.constant 0 : i32
    %dma_wait3A_78 = tpu.memref_slice %arg5[%dma_wait3A_73, %dma_wait3A_77] : memref<4x128xi32, #tpu.memory_space<vmem>> -> memref<1x128xi32, #tpu.memory_space<vmem>>
    %dma_wait3A_79 = tpu.memref_squeeze %dma_wait3A_78 : memref<1x128xi32, #tpu.memory_space<vmem>> -> memref<128xi32, #tpu.memory_space<vmem>>
    %dma_wait3A_80 = arith.constant 0 : i32
    %dma_wait3A_81 = arith.constant 0 : i32
    %dma_wait3A_82 = tpu.memref_slice %arg7[%dma_wait3A_80, %dma_wait3A_81] : memref<1000x128xf32, #tpu.memory_space<vmem_shared>> -> memref<1000x128xf32, #tpu.memory_space<vmem_shared>>
    tpu.wait_indirect_dma semaphore(%arg8 : memref<!tpu.dma_semaphore, #tpu.memory_space<semaphore_mem>>) src(%dma_wait3A_82 : memref<1000x128xf32, #tpu.memory_space<vmem_shared>>) dst(%dma_wait3A_76 : memref<128x128xf32, #tpu.memory_space<vmem>>)
    "tpu.region"() ({
      %run_scoped3A = tpu.sem_alloc : memref<!tpu.dma_semaphore, #tpu.memory_space<semaphore_mem>>
      %dma_start3A_83 = arith.constant 0 : i32
      %dma_start3A_84 = tpu.memref_slice %arg4[%mul3A_2, %dma_start3A_83] : memref<16384x128xf32, #tpu.memory_space<hbm>> -> memref<512x128xf32, #tpu.memory_space<hbm>>
      %dma_start3A_85 = arith.constant 0 : i32
      %dma_start3A_86 = tpu.memref_slice %arg4[%mul3A_2, %dma_start3A_85] : memref<16384x128xf32, #tpu.memory_space<hbm>> -> memref<512x128xf32, #tpu.memory_space<hbm>>
      tpu.enqueue_dma source(%arg6 : memref<512x128xf32, #tpu.memory_space<vmem>>) target(%dma_start3A_86 : memref<512x128xf32, #tpu.memory_space<hbm>>) target_semaphore(%run_scoped3A : memref<!tpu.dma_semaphore, #tpu.memory_space<semaphore_mem>>)
      %dma_wait3A_87 = arith.constant 0 : i32
      %dma_wait3A_88 = tpu.memref_slice %arg4[%mul3A_2, %dma_wait3A_87] : memref<16384x128xf32, #tpu.memory_space<hbm>> -> memref<512x128xf32, #tpu.memory_space<hbm>>
      %dma_wait3A_89 = arith.constant 0 : i32
      %dma_wait3A_90 = tpu.memref_slice %arg4[%mul3A_2, %dma_wait3A_89] : memref<16384x128xf32, #tpu.memory_space<hbm>> -> memref<512x128xf32, #tpu.memory_space<hbm>>
      tpu.wait_dma2 semaphore(%run_scoped3A : memref<!tpu.dma_semaphore, #tpu.memory_space<semaphore_mem>>) src(%arg6 : memref<512x128xf32, #tpu.memory_space<vmem>>) dst(%dma_wait3A_90 : memref<512x128xf32, #tpu.memory_space<hbm>>)
      tpu.yield
    }) : () -> ()
    return
  }
}

module attributes {stable_mosaic.version = 14 : i64} {
  func.func @_renorm_body(%arg0: memref<1000x128xf32, #tpu.memory_space<vmem>>, %arg1: memref<1000x128xf32, #tpu.memory_space<vmem>>) attributes {dimension_semantics = [], scalar_prefetch = 0 : i64, scratch_operands = 0 : i64, tpu.core_type = #tpu.core_type<tc>} {
    %get3A = arith.constant 0 : index
    %get3A_0 = arith.constant 0 : index
    %get3A_1 = vector.load %arg0[%get3A, %get3A_0] : memref<1000x128xf32, #tpu.memory_space<vmem>>, vector<1000x128xf32>
    %mul3A = arith.mulf %get3A_1, %get3A_1 : vector<1000x128xf32>
    %reduce_sum3A = arith.constant dense<0.000000e+00> : vector<1000xf32>
    %reduce_sum3A_2 = vector.multi_reduction <add>, %mul3A, %reduce_sum3A [1] : vector<1000x128xf32> to vector<1000xf32>
    %broadcast_in_dim3A = vector.shape_cast %reduce_sum3A_2 : vector<1000xf32> to vector<1000x1xf32>
    %sqrt3A = math.sqrt %broadcast_in_dim3A : vector<1000x1xf32>
    %add3A = arith.constant 1.000000e-07 : f32
    %add3A_3 = vector.broadcast %add3A : f32 to vector<1000x1xf32>
    %add3A_4 = arith.addf %sqrt3A, %add3A_3 : vector<1000x1xf32>
    %div3A = arith.constant 1.000000e+00 : f32
    %div3A_5 = vector.broadcast %div3A : f32 to vector<1000x1xf32>
    %div3A_6 = arith.divf %div3A_5, %add3A_4 : vector<1000x1xf32>
    %min3A = arith.constant 1.000000e+00 : f32
    %min3A_7 = vector.broadcast %min3A : f32 to vector<1000x1xf32>
    %min3A_8 = arith.minimumf %min3A_7, %div3A_6 : vector<1000x1xf32>
    %mul3A_9 = vector.broadcast %min3A_8 : vector<1000x1xf32> to vector<1000x128xf32>
    %mul3A_10 = arith.mulf %get3A_1, %mul3A_9 : vector<1000x128xf32>
    %swap3A = arith.constant 0 : index
    %swap3A_11 = arith.constant 0 : index
    %swap3A_12 = vector.load %arg1[%swap3A, %swap3A_11] : memref<1000x128xf32, #tpu.memory_space<vmem>>, vector<1000x128xf32>
    tpu.vector_store %arg1[%swap3A, %swap3A_11], %mul3A_10 {strides = array<i32>} : memref<1000x128xf32, #tpu.memory_space<vmem>>, vector<1000x128xf32>,
    return
  }
}

module attributes {stable_mosaic.version = 14 : i64} {
  func.func @_replicate_body(%arg0: memref<16384x128xf32, #tpu.memory_space<any>>, %arg1: memref<51x16384x128xf32, #tpu.memory_space<any>>, %arg2: memref<16384x128xf32, #tpu.memory_space<vmem>>, %arg3: memref<!tpu.dma_semaphore, #tpu.memory_space<semaphore_mem>>, %arg4: memref<!tpu.dma_semaphore, #tpu.memory_space<semaphore_mem>>) attributes {dimension_semantics = [], scalar_prefetch = 0 : i64, scratch_operands = 3 : i64, tpu.core_type = #tpu.core_type<tc>} {
    tpu.enqueue_dma source(%arg0 : memref<16384x128xf32, #tpu.memory_space<any>>) target(%arg2 : memref<16384x128xf32, #tpu.memory_space<vmem>>) target_semaphore(%arg3 : memref<!tpu.dma_semaphore, #tpu.memory_space<semaphore_mem>>)
    tpu.wait_dma2 semaphore(%arg3 : memref<!tpu.dma_semaphore, #tpu.memory_space<semaphore_mem>>) src(%arg0 : memref<16384x128xf32, #tpu.memory_space<any>>) dst(%arg2 : memref<16384x128xf32, #tpu.memory_space<vmem>>)
    %dma_start3A = arith.constant 0 : i32
    %dma_start3A_0 = arith.constant 0 : i32
    %dma_start3A_1 = arith.constant 0 : i32
    %dma_start3A_2 = tpu.memref_slice %arg1[%dma_start3A, %dma_start3A_0, %dma_start3A_1] : memref<51x16384x128xf32, #tpu.memory_space<any>> -> memref<1x16384x128xf32, #tpu.memory_space<any>>
    %dma_start3A_3 = tpu.memref_squeeze %dma_start3A_2 : memref<1x16384x128xf32, #tpu.memory_space<any>> -> memref<16384x128xf32, #tpu.memory_space<any>>
    tpu.enqueue_dma source(%arg2 : memref<16384x128xf32, #tpu.memory_space<vmem>>) target(%dma_start3A_3 : memref<16384x128xf32, #tpu.memory_space<any>>) target_semaphore(%arg4 : memref<!tpu.dma_semaphore, #tpu.memory_space<semaphore_mem>>)
    %dma_start3A_4 = arith.constant 1 : i32
    %dma_start3A_5 = arith.constant 0 : i32
    %dma_start3A_6 = arith.constant 0 : i32
    %dma_start3A_7 = tpu.memref_slice %arg1[%dma_start3A_4, %dma_start3A_5, %dma_start3A_6] : memref<51x16384x128xf32, #tpu.memory_space<any>> -> memref<1x16384x128xf32, #tpu.memory_space<any>>
    %dma_start3A_8 = tpu.memref_squeeze %dma_start3A_7 : memref<1x16384x128xf32, #tpu.memory_space<any>> -> memref<16384x128xf32, #tpu.memory_space<any>>
    tpu.enqueue_dma source(%arg2 : memref<16384x128xf32, #tpu.memory_space<vmem>>) target(%dma_start3A_8 : memref<16384x128xf32, #tpu.memory_space<any>>) target_semaphore(%arg4 : memref<!tpu.dma_semaphore, #tpu.memory_space<semaphore_mem>>)
    %dma_start3A_9 = arith.constant 2 : i32
    %dma_start3A_10 = arith.constant 0 : i32
    %dma_start3A_11 = arith.constant 0 : i32
    %dma_start3A_12 = tpu.memref_slice %arg1[%dma_start3A_9, %dma_start3A_10, %dma_start3A_11] : memref<51x16384x128xf32, #tpu.memory_space<any>> -> memref<1x16384x128xf32, #tpu.memory_space<any>>
    %dma_start3A_13 = tpu.memref_squeeze %dma_start3A_12 : memref<1x16384x128xf32, #tpu.memory_space<any>> -> memref<16384x128xf32, #tpu.memory_space<any>>
    tpu.enqueue_dma source(%arg2 : memref<16384x128xf32, #tpu.memory_space<vmem>>) target(%dma_start3A_13 : memref<16384x128xf32, #tpu.memory_space<any>>) target_semaphore(%arg4 : memref<!tpu.dma_semaphore, #tpu.memory_space<semaphore_mem>>)
    %dma_start3A_14 = arith.constant 3 : i32
    %dma_start3A_15 = arith.constant 0 : i32
    %dma_start3A_16 = arith.constant 0 : i32
    %dma_start3A_17 = tpu.memref_slice %arg1[%dma_start3A_14, %dma_start3A_15, %dma_start3A_16] : memref<51x16384x128xf32, #tpu.memory_space<any>> -> memref<1x16384x128xf32, #tpu.memory_space<any>>
    %dma_start3A_18 = tpu.memref_squeeze %dma_start3A_17 : memref<1x16384x128xf32, #tpu.memory_space<any>> -> memref<16384x128xf32, #tpu.memory_space<any>>
    tpu.enqueue_dma source(%arg2 : memref<16384x128xf32, #tpu.memory_space<vmem>>) target(%dma_start3A_18 : memref<16384x128xf32, #tpu.memory_space<any>>) target_semaphore(%arg4 : memref<!tpu.dma_semaphore, #tpu.memory_space<semaphore_mem>>)
    %dma_start3A_19 = arith.constant 4 : i32
    %dma_start3A_20 = arith.constant 0 : i32
    %dma_start3A_21 = arith.constant 0 : i32
    %dma_start3A_22 = tpu.memref_slice %arg1[%dma_start3A_19, %dma_start3A_20, %dma_start3A_21] : memref<51x16384x128xf32, #tpu.memory_space<any>> -> memref<1x16384x128xf32, #tpu.memory_space<any>>
    %dma_start3A_23 = tpu.memref_squeeze %dma_start3A_22 : memref<1x16384x128xf32, #tpu.memory_space<any>> -> memref<16384x128xf32, #tpu.memory_space<any>>
    tpu.enqueue_dma source(%arg2 : memref<16384x128xf32, #tpu.memory_space<vmem>>) target(%dma_start3A_23 : memref<16384x128xf32, #tpu.memory_space<any>>) target_semaphore(%arg4 : memref<!tpu.dma_semaphore, #tpu.memory_space<semaphore_mem>>)
    %dma_start3A_24 = arith.constant 5 : i32
    %dma_start3A_25 = arith.constant 0 : i32
    %dma_start3A_26 = arith.constant 0 : i32
    %dma_start3A_27 = tpu.memref_slice %arg1[%dma_start3A_24, %dma_start3A_25, %dma_start3A_26] : memref<51x16384x128xf32, #tpu.memory_space<any>> -> memref<1x16384x128xf32, #tpu.memory_space<any>>
    %dma_start3A_28 = tpu.memref_squeeze %dma_start3A_27 : memref<1x16384x128xf32, #tpu.memory_space<any>> -> memref<16384x128xf32, #tpu.memory_space<any>>
    tpu.enqueue_dma source(%arg2 : memref<16384x128xf32, #tpu.memory_space<vmem>>) target(%dma_start3A_28 : memref<16384x128xf32, #tpu.memory_space<any>>) target_semaphore(%arg4 : memref<!tpu.dma_semaphore, #tpu.memory_space<semaphore_mem>>)
    %dma_start3A_29 = arith.constant 6 : i32
    %dma_start3A_30 = arith.constant 0 : i32
    %dma_start3A_31 = arith.constant 0 : i32
    %dma_start3A_32 = tpu.memref_slice %arg1[%dma_start3A_29, %dma_start3A_30, %dma_start3A_31] : memref<51x16384x128xf32, #tpu.memory_space<any>> -> memref<1x16384x128xf32, #tpu.memory_space<any>>
    %dma_start3A_33 = tpu.memref_squeeze %dma_start3A_32 : memref<1x16384x128xf32, #tpu.memory_space<any>> -> memref<16384x128xf32, #tpu.memory_space<any>>
    tpu.enqueue_dma source(%arg2 : memref<16384x128xf32, #tpu.memory_space<vmem>>) target(%dma_start3A_33 : memref<16384x128xf32, #tpu.memory_space<any>>) target_semaphore(%arg4 : memref<!tpu.dma_semaphore, #tpu.memory_space<semaphore_mem>>)
    %dma_start3A_34 = arith.constant 7 : i32
    %dma_start3A_35 = arith.constant 0 : i32
    %dma_start3A_36 = arith.constant 0 : i32
    %dma_start3A_37 = tpu.memref_slice %arg1[%dma_start3A_34, %dma_start3A_35, %dma_start3A_36] : memref<51x16384x128xf32, #tpu.memory_space<any>> -> memref<1x16384x128xf32, #tpu.memory_space<any>>
    %dma_start3A_38 = tpu.memref_squeeze %dma_start3A_37 : memref<1x16384x128xf32, #tpu.memory_space<any>> -> memref<16384x128xf32, #tpu.memory_space<any>>
    tpu.enqueue_dma source(%arg2 : memref<16384x128xf32, #tpu.memory_space<vmem>>) target(%dma_start3A_38 : memref<16384x128xf32, #tpu.memory_space<any>>) target_semaphore(%arg4 : memref<!tpu.dma_semaphore, #tpu.memory_space<semaphore_mem>>)
    %dma_start3A_39 = arith.constant 8 : i32
    %dma_start3A_40 = arith.constant 0 : i32
    %dma_start3A_41 = arith.constant 0 : i32
    %dma_start3A_42 = tpu.memref_slice %arg1[%dma_start3A_39, %dma_start3A_40, %dma_start3A_41] : memref<51x16384x128xf32, #tpu.memory_space<any>> -> memref<1x16384x128xf32, #tpu.memory_space<any>>
    %dma_start3A_43 = tpu.memref_squeeze %dma_start3A_42 : memref<1x16384x128xf32, #tpu.memory_space<any>> -> memref<16384x128xf32, #tpu.memory_space<any>>
    tpu.enqueue_dma source(%arg2 : memref<16384x128xf32, #tpu.memory_space<vmem>>) target(%dma_start3A_43 : memref<16384x128xf32, #tpu.memory_space<any>>) target_semaphore(%arg4 : memref<!tpu.dma_semaphore, #tpu.memory_space<semaphore_mem>>)
    %dma_start3A_44 = arith.constant 9 : i32
    %dma_start3A_45 = arith.constant 0 : i32
    %dma_start3A_46 = arith.constant 0 : i32
    %dma_start3A_47 = tpu.memref_slice %arg1[%dma_start3A_44, %dma_start3A_45, %dma_start3A_46] : memref<51x16384x128xf32, #tpu.memory_space<any>> -> memref<1x16384x128xf32, #tpu.memory_space<any>>
    %dma_start3A_48 = tpu.memref_squeeze %dma_start3A_47 : memref<1x16384x128xf32, #tpu.memory_space<any>> -> memref<16384x128xf32, #tpu.memory_space<any>>
    tpu.enqueue_dma source(%arg2 : memref<16384x128xf32, #tpu.memory_space<vmem>>) target(%dma_start3A_48 : memref<16384x128xf32, #tpu.memory_space<any>>) target_semaphore(%arg4 : memref<!tpu.dma_semaphore, #tpu.memory_space<semaphore_mem>>)
    %dma_start3A_49 = arith.constant 10 : i32
    %dma_start3A_50 = arith.constant 0 : i32
    %dma_start3A_51 = arith.constant 0 : i32
    %dma_start3A_52 = tpu.memref_slice %arg1[%dma_start3A_49, %dma_start3A_50, %dma_start3A_51] : memref<51x16384x128xf32, #tpu.memory_space<any>> -> memref<1x16384x128xf32, #tpu.memory_space<any>>
    %dma_start3A_53 = tpu.memref_squeeze %dma_start3A_52 : memref<1x16384x128xf32, #tpu.memory_space<any>> -> memref<16384x128xf32, #tpu.memory_space<any>>
    tpu.enqueue_dma source(%arg2 : memref<16384x128xf32, #tpu.memory_space<vmem>>) target(%dma_start3A_53 : memref<16384x128xf32, #tpu.memory_space<any>>) target_semaphore(%arg4 : memref<!tpu.dma_semaphore, #tpu.memory_space<semaphore_mem>>)
    %dma_start3A_54 = arith.constant 11 : i32
    %dma_start3A_55 = arith.constant 0 : i32
    %dma_start3A_56 = arith.constant 0 : i32
    %dma_start3A_57 = tpu.memref_slice %arg1[%dma_start3A_54, %dma_start3A_55, %dma_start3A_56] : memref<51x16384x128xf32, #tpu.memory_space<any>> -> memref<1x16384x128xf32, #tpu.memory_space<any>>
    %dma_start3A_58 = tpu.memref_squeeze %dma_start3A_57 : memref<1x16384x128xf32, #tpu.memory_space<any>> -> memref<16384x128xf32, #tpu.memory_space<any>>
    tpu.enqueue_dma source(%arg2 : memref<16384x128xf32, #tpu.memory_space<vmem>>) target(%dma_start3A_58 : memref<16384x128xf32, #tpu.memory_space<any>>) target_semaphore(%arg4 : memref<!tpu.dma_semaphore, #tpu.memory_space<semaphore_mem>>)
    %dma_start3A_59 = arith.constant 12 : i32
    %dma_start3A_60 = arith.constant 0 : i32
    %dma_start3A_61 = arith.constant 0 : i32
    %dma_start3A_62 = tpu.memref_slice %arg1[%dma_start3A_59, %dma_start3A_60, %dma_start3A_61] : memref<51x16384x128xf32, #tpu.memory_space<any>> -> memref<1x16384x128xf32, #tpu.memory_space<any>>
    %dma_start3A_63 = tpu.memref_squeeze %dma_start3A_62 : memref<1x16384x128xf32, #tpu.memory_space<any>> -> memref<16384x128xf32, #tpu.memory_space<any>>
    tpu.enqueue_dma source(%arg2 : memref<16384x128xf32, #tpu.memory_space<vmem>>) target(%dma_start3A_63 : memref<16384x128xf32, #tpu.memory_space<any>>) target_semaphore(%arg4 : memref<!tpu.dma_semaphore, #tpu.memory_space<semaphore_mem>>)
    %dma_start3A_64 = arith.constant 13 : i32
    %dma_start3A_65 = arith.constant 0 : i32
    %dma_start3A_66 = arith.constant 0 : i32
    %dma_start3A_67 = tpu.memref_slice %arg1[%dma_start3A_64, %dma_start3A_65, %dma_start3A_66] : memref<51x16384x128xf32, #tpu.memory_space<any>> -> memref<1x16384x128xf32, #tpu.memory_space<any>>
    %dma_start3A_68 = tpu.memref_squeeze %dma_start3A_67 : memref<1x16384x128xf32, #tpu.memory_space<any>> -> memref<16384x128xf32, #tpu.memory_space<any>>
    tpu.enqueue_dma source(%arg2 : memref<16384x128xf32, #tpu.memory_space<vmem>>) target(%dma_start3A_68 : memref<16384x128xf32, #tpu.memory_space<any>>) target_semaphore(%arg4 : memref<!tpu.dma_semaphore, #tpu.memory_space<semaphore_mem>>)
    %dma_start3A_69 = arith.constant 14 : i32
    %dma_start3A_70 = arith.constant 0 : i32
    %dma_start3A_71 = arith.constant 0 : i32
    %dma_start3A_72 = tpu.memref_slice %arg1[%dma_start3A_69, %dma_start3A_70, %dma_start3A_71] : memref<51x16384x128xf32, #tpu.memory_space<any>> -> memref<1x16384x128xf32, #tpu.memory_space<any>>
    %dma_start3A_73 = tpu.memref_squeeze %dma_start3A_72 : memref<1x16384x128xf32, #tpu.memory_space<any>> -> memref<16384x128xf32, #tpu.memory_space<any>>
    tpu.enqueue_dma source(%arg2 : memref<16384x128xf32, #tpu.memory_space<vmem>>) target(%dma_start3A_73 : memref<16384x128xf32, #tpu.memory_space<any>>) target_semaphore(%arg4 : memref<!tpu.dma_semaphore, #tpu.memory_space<semaphore_mem>>)
    %dma_start3A_74 = arith.constant 15 : i32
    %dma_start3A_75 = arith.constant 0 : i32
    %dma_start3A_76 = arith.constant 0 : i32
    %dma_start3A_77 = tpu.memref_slice %arg1[%dma_start3A_74, %dma_start3A_75, %dma_start3A_76] : memref<51x16384x128xf32, #tpu.memory_space<any>> -> memref<1x16384x128xf32, #tpu.memory_space<any>>
    %dma_start3A_78 = tpu.memref_squeeze %dma_start3A_77 : memref<1x16384x128xf32, #tpu.memory_space<any>> -> memref<16384x128xf32, #tpu.memory_space<any>>
    tpu.enqueue_dma source(%arg2 : memref<16384x128xf32, #tpu.memory_space<vmem>>) target(%dma_start3A_78 : memref<16384x128xf32, #tpu.memory_space<any>>) target_semaphore(%arg4 : memref<!tpu.dma_semaphore, #tpu.memory_space<semaphore_mem>>)
    %dma_start3A_79 = arith.constant 16 : i32
    %dma_start3A_80 = arith.constant 0 : i32
    %dma_start3A_81 = arith.constant 0 : i32
    %dma_start3A_82 = tpu.memref_slice %arg1[%dma_start3A_79, %dma_start3A_80, %dma_start3A_81] : memref<51x16384x128xf32, #tpu.memory_space<any>> -> memref<1x16384x128xf32, #tpu.memory_space<any>>
    %dma_start3A_83 = tpu.memref_squeeze %dma_start3A_82 : memref<1x16384x128xf32, #tpu.memory_space<any>> -> memref<16384x128xf32, #tpu.memory_space<any>>
    tpu.enqueue_dma source(%arg2 : memref<16384x128xf32, #tpu.memory_space<vmem>>) target(%dma_start3A_83 : memref<16384x128xf32, #tpu.memory_space<any>>) target_semaphore(%arg4 : memref<!tpu.dma_semaphore, #tpu.memory_space<semaphore_mem>>)
    %dma_start3A_84 = arith.constant 17 : i32
    %dma_start3A_85 = arith.constant 0 : i32
    %dma_start3A_86 = arith.constant 0 : i32
    %dma_start3A_87 = tpu.memref_slice %arg1[%dma_start3A_84, %dma_start3A_85, %dma_start3A_86] : memref<51x16384x128xf32, #tpu.memory_space<any>> -> memref<1x16384x128xf32, #tpu.memory_space<any>>
    %dma_start3A_88 = tpu.memref_squeeze %dma_start3A_87 : memref<1x16384x128xf32, #tpu.memory_space<any>> -> memref<16384x128xf32, #tpu.memory_space<any>>
    tpu.enqueue_dma source(%arg2 : memref<16384x128xf32, #tpu.memory_space<vmem>>) target(%dma_start3A_88 : memref<16384x128xf32, #tpu.memory_space<any>>) target_semaphore(%arg4 : memref<!tpu.dma_semaphore, #tpu.memory_space<semaphore_mem>>)
    %dma_start3A_89 = arith.constant 18 : i32
    %dma_start3A_90 = arith.constant 0 : i32
    %dma_start3A_91 = arith.constant 0 : i32
    %dma_start3A_92 = tpu.memref_slice %arg1[%dma_start3A_89, %dma_start3A_90, %dma_start3A_91] : memref<51x16384x128xf32, #tpu.memory_space<any>> -> memref<1x16384x128xf32, #tpu.memory_space<any>>
    %dma_start3A_93 = tpu.memref_squeeze %dma_start3A_92 : memref<1x16384x128xf32, #tpu.memory_space<any>> -> memref<16384x128xf32, #tpu.memory_space<any>>
    tpu.enqueue_dma source(%arg2 : memref<16384x128xf32, #tpu.memory_space<vmem>>) target(%dma_start3A_93 : memref<16384x128xf32, #tpu.memory_space<any>>) target_semaphore(%arg4 : memref<!tpu.dma_semaphore, #tpu.memory_space<semaphore_mem>>)
    %dma_start3A_94 = arith.constant 19 : i32
    %dma_start3A_95 = arith.constant 0 : i32
    %dma_start3A_96 = arith.constant 0 : i32
    %dma_start3A_97 = tpu.memref_slice %arg1[%dma_start3A_94, %dma_start3A_95, %dma_start3A_96] : memref<51x16384x128xf32, #tpu.memory_space<any>> -> memref<1x16384x128xf32, #tpu.memory_space<any>>
    %dma_start3A_98 = tpu.memref_squeeze %dma_start3A_97 : memref<1x16384x128xf32, #tpu.memory_space<any>> -> memref<16384x128xf32, #tpu.memory_space<any>>
    tpu.enqueue_dma source(%arg2 : memref<16384x128xf32, #tpu.memory_space<vmem>>) target(%dma_start3A_98 : memref<16384x128xf32, #tpu.memory_space<any>>) target_semaphore(%arg4 : memref<!tpu.dma_semaphore, #tpu.memory_space<semaphore_mem>>)
    %dma_start3A_99 = arith.constant 20 : i32
    %dma_start3A_100 = arith.constant 0 : i32
    %dma_start3A_101 = arith.constant 0 : i32
    %dma_start3A_102 = tpu.memref_slice %arg1[%dma_start3A_99, %dma_start3A_100, %dma_start3A_101] : memref<51x16384x128xf32, #tpu.memory_space<any>> -> memref<1x16384x128xf32, #tpu.memory_space<any>>
    %dma_start3A_103 = tpu.memref_squeeze %dma_start3A_102 : memref<1x16384x128xf32, #tpu.memory_space<any>> -> memref<16384x128xf32, #tpu.memory_space<any>>
    tpu.enqueue_dma source(%arg2 : memref<16384x128xf32, #tpu.memory_space<vmem>>) target(%dma_start3A_103 : memref<16384x128xf32, #tpu.memory_space<any>>) target_semaphore(%arg4 : memref<!tpu.dma_semaphore, #tpu.memory_space<semaphore_mem>>)
    %dma_start3A_104 = arith.constant 21 : i32
    %dma_start3A_105 = arith.constant 0 : i32
    %dma_start3A_106 = arith.constant 0 : i32
    %dma_start3A_107 = tpu.memref_slice %arg1[%dma_start3A_104, %dma_start3A_105, %dma_start3A_106] : memref<51x16384x128xf32, #tpu.memory_space<any>> -> memref<1x16384x128xf32, #tpu.memory_space<any>>
    %dma_start3A_108 = tpu.memref_squeeze %dma_start3A_107 : memref<1x16384x128xf32, #tpu.memory_space<any>> -> memref<16384x128xf32, #tpu.memory_space<any>>
    tpu.enqueue_dma source(%arg2 : memref<16384x128xf32, #tpu.memory_space<vmem>>) target(%dma_start3A_108 : memref<16384x128xf32, #tpu.memory_space<any>>) target_semaphore(%arg4 : memref<!tpu.dma_semaphore, #tpu.memory_space<semaphore_mem>>)
    %dma_start3A_109 = arith.constant 22 : i32
    %dma_start3A_110 = arith.constant 0 : i32
    %dma_start3A_111 = arith.constant 0 : i32
    %dma_start3A_112 = tpu.memref_slice %arg1[%dma_start3A_109, %dma_start3A_110, %dma_start3A_111] : memref<51x16384x128xf32, #tpu.memory_space<any>> -> memref<1x16384x128xf32, #tpu.memory_space<any>>
    %dma_start3A_113 = tpu.memref_squeeze %dma_start3A_112 : memref<1x16384x128xf32, #tpu.memory_space<any>> -> memref<16384x128xf32, #tpu.memory_space<any>>
    tpu.enqueue_dma source(%arg2 : memref<16384x128xf32, #tpu.memory_space<vmem>>) target(%dma_start3A_113 : memref<16384x128xf32, #tpu.memory_space<any>>) target_semaphore(%arg4 : memref<!tpu.dma_semaphore, #tpu.memory_space<semaphore_mem>>)
    %dma_start3A_114 = arith.constant 23 : i32
    %dma_start3A_115 = arith.constant 0 : i32
    %dma_start3A_116 = arith.constant 0 : i32
    %dma_start3A_117 = tpu.memref_slice %arg1[%dma_start3A_114, %dma_start3A_115, %dma_start3A_116] : memref<51x16384x128xf32, #tpu.memory_space<any>> -> memref<1x16384x128xf32, #tpu.memory_space<any>>
    %dma_start3A_118 = tpu.memref_squeeze %dma_start3A_117 : memref<1x16384x128xf32, #tpu.memory_space<any>> -> memref<16384x128xf32, #tpu.memory_space<any>>
    tpu.enqueue_dma source(%arg2 : memref<16384x128xf32, #tpu.memory_space<vmem>>) target(%dma_start3A_118 : memref<16384x128xf32, #tpu.memory_space<any>>) target_semaphore(%arg4 : memref<!tpu.dma_semaphore, #tpu.memory_space<semaphore_mem>>)
    %dma_start3A_119 = arith.constant 24 : i32
    %dma_start3A_120 = arith.constant 0 : i32
    %dma_start3A_121 = arith.constant 0 : i32
    %dma_start3A_122 = tpu.memref_slice %arg1[%dma_start3A_119, %dma_start3A_120, %dma_start3A_121] : memref<51x16384x128xf32, #tpu.memory_space<any>> -> memref<1x16384x128xf32, #tpu.memory_space<any>>
    %dma_start3A_123 = tpu.memref_squeeze %dma_start3A_122 : memref<1x16384x128xf32, #tpu.memory_space<any>> -> memref<16384x128xf32, #tpu.memory_space<any>>
    tpu.enqueue_dma source(%arg2 : memref<16384x128xf32, #tpu.memory_space<vmem>>) target(%dma_start3A_123 : memref<16384x128xf32, #tpu.memory_space<any>>) target_semaphore(%arg4 : memref<!tpu.dma_semaphore, #tpu.memory_space<semaphore_mem>>)
    %dma_start3A_124 = arith.constant 25 : i32
    %dma_start3A_125 = arith.constant 0 : i32
    %dma_start3A_126 = arith.constant 0 : i32
    %dma_start3A_127 = tpu.memref_slice %arg1[%dma_start3A_124, %dma_start3A_125, %dma_start3A_126] : memref<51x16384x128xf32, #tpu.memory_space<any>> -> memref<1x16384x128xf32, #tpu.memory_space<any>>
    %dma_start3A_128 = tpu.memref_squeeze %dma_start3A_127 : memref<1x16384x128xf32, #tpu.memory_space<any>> -> memref<16384x128xf32, #tpu.memory_space<any>>
    tpu.enqueue_dma source(%arg2 : memref<16384x128xf32, #tpu.memory_space<vmem>>) target(%dma_start3A_128 : memref<16384x128xf32, #tpu.memory_space<any>>) target_semaphore(%arg4 : memref<!tpu.dma_semaphore, #tpu.memory_space<semaphore_mem>>)
    %dma_start3A_129 = arith.constant 26 : i32
    %dma_start3A_130 = arith.constant 0 : i32
    %dma_start3A_131 = arith.constant 0 : i32
    %dma_start3A_132 = tpu.memref_slice %arg1[%dma_start3A_129, %dma_start3A_130, %dma_start3A_131] : memref<51x16384x128xf32, #tpu.memory_space<any>> -> memref<1x16384x128xf32, #tpu.memory_space<any>>
    %dma_start3A_133 = tpu.memref_squeeze %dma_start3A_132 : memref<1x16384x128xf32, #tpu.memory_space<any>> -> memref<16384x128xf32, #tpu.memory_space<any>>
    tpu.enqueue_dma source(%arg2 : memref<16384x128xf32, #tpu.memory_space<vmem>>) target(%dma_start3A_133 : memref<16384x128xf32, #tpu.memory_space<any>>) target_semaphore(%arg4 : memref<!tpu.dma_semaphore, #tpu.memory_space<semaphore_mem>>)
    %dma_start3A_134 = arith.constant 27 : i32
    %dma_start3A_135 = arith.constant 0 : i32
    %dma_start3A_136 = arith.constant 0 : i32
    %dma_start3A_137 = tpu.memref_slice %arg1[%dma_start3A_134, %dma_start3A_135, %dma_start3A_136] : memref<51x16384x128xf32, #tpu.memory_space<any>> -> memref<1x16384x128xf32, #tpu.memory_space<any>>
    %dma_start3A_138 = tpu.memref_squeeze %dma_start3A_137 : memref<1x16384x128xf32, #tpu.memory_space<any>> -> memref<16384x128xf32, #tpu.memory_space<any>>
    tpu.enqueue_dma source(%arg2 : memref<16384x128xf32, #tpu.memory_space<vmem>>) target(%dma_start3A_138 : memref<16384x128xf32, #tpu.memory_space<any>>) target_semaphore(%arg4 : memref<!tpu.dma_semaphore, #tpu.memory_space<semaphore_mem>>)
    %dma_start3A_139 = arith.constant 28 : i32
    %dma_start3A_140 = arith.constant 0 : i32
    %dma_start3A_141 = arith.constant 0 : i32
    %dma_start3A_142 = tpu.memref_slice %arg1[%dma_start3A_139, %dma_start3A_140, %dma_start3A_141] : memref<51x16384x128xf32, #tpu.memory_space<any>> -> memref<1x16384x128xf32, #tpu.memory_space<any>>
    %dma_start3A_143 = tpu.memref_squeeze %dma_start3A_142 : memref<1x16384x128xf32, #tpu.memory_space<any>> -> memref<16384x128xf32, #tpu.memory_space<any>>
    tpu.enqueue_dma source(%arg2 : memref<16384x128xf32, #tpu.memory_space<vmem>>) target(%dma_start3A_143 : memref<16384x128xf32, #tpu.memory_space<any>>) target_semaphore(%arg4 : memref<!tpu.dma_semaphore, #tpu.memory_space<semaphore_mem>>)
    %dma_start3A_144 = arith.constant 29 : i32
    %dma_start3A_145 = arith.constant 0 : i32
    %dma_start3A_146 = arith.constant 0 : i32
    %dma_start3A_147 = tpu.memref_slice %arg1[%dma_start3A_144, %dma_start3A_145, %dma_start3A_146] : memref<51x16384x128xf32, #tpu.memory_space<any>> -> memref<1x16384x128xf32, #tpu.memory_space<any>>
    %dma_start3A_148 = tpu.memref_squeeze %dma_start3A_147 : memref<1x16384x128xf32, #tpu.memory_space<any>> -> memref<16384x128xf32, #tpu.memory_space<any>>
    tpu.enqueue_dma source(%arg2 : memref<16384x128xf32, #tpu.memory_space<vmem>>) target(%dma_start3A_148 : memref<16384x128xf32, #tpu.memory_space<any>>) target_semaphore(%arg4 : memref<!tpu.dma_semaphore, #tpu.memory_space<semaphore_mem>>)
    %dma_start3A_149 = arith.constant 30 : i32
    %dma_start3A_150 = arith.constant 0 : i32
    %dma_start3A_151 = arith.constant 0 : i32
    %dma_start3A_152 = tpu.memref_slice %arg1[%dma_start3A_149, %dma_start3A_150, %dma_start3A_151] : memref<51x16384x128xf32, #tpu.memory_space<any>> -> memref<1x16384x128xf32, #tpu.memory_space<any>>
    %dma_start3A_153 = tpu.memref_squeeze %dma_start3A_152 : memref<1x16384x128xf32, #tpu.memory_space<any>> -> memref<16384x128xf32, #tpu.memory_space<any>>
    tpu.enqueue_dma source(%arg2 : memref<16384x128xf32, #tpu.memory_space<vmem>>) target(%dma_start3A_153 : memref<16384x128xf32, #tpu.memory_space<any>>) target_semaphore(%arg4 : memref<!tpu.dma_semaphore, #tpu.memory_space<semaphore_mem>>)
    %dma_start3A_154 = arith.constant 31 : i32
    %dma_start3A_155 = arith.constant 0 : i32
    %dma_start3A_156 = arith.constant 0 : i32
    %dma_start3A_157 = tpu.memref_slice %arg1[%dma_start3A_154, %dma_start3A_155, %dma_start3A_156] : memref<51x16384x128xf32, #tpu.memory_space<any>> -> memref<1x16384x128xf32, #tpu.memory_space<any>>
    %dma_start3A_158 = tpu.memref_squeeze %dma_start3A_157 : memref<1x16384x128xf32, #tpu.memory_space<any>> -> memref<16384x128xf32, #tpu.memory_space<any>>
    tpu.enqueue_dma source(%arg2 : memref<16384x128xf32, #tpu.memory_space<vmem>>) target(%dma_start3A_158 : memref<16384x128xf32, #tpu.memory_space<any>>) target_semaphore(%arg4 : memref<!tpu.dma_semaphore, #tpu.memory_space<semaphore_mem>>)
    %dma_start3A_159 = arith.constant 32 : i32
    %dma_start3A_160 = arith.constant 0 : i32
    %dma_start3A_161 = arith.constant 0 : i32
    %dma_start3A_162 = tpu.memref_slice %arg1[%dma_start3A_159, %dma_start3A_160, %dma_start3A_161] : memref<51x16384x128xf32, #tpu.memory_space<any>> -> memref<1x16384x128xf32, #tpu.memory_space<any>>
    %dma_start3A_163 = tpu.memref_squeeze %dma_start3A_162 : memref<1x16384x128xf32, #tpu.memory_space<any>> -> memref<16384x128xf32, #tpu.memory_space<any>>
    tpu.enqueue_dma source(%arg2 : memref<16384x128xf32, #tpu.memory_space<vmem>>) target(%dma_start3A_163 : memref<16384x128xf32, #tpu.memory_space<any>>) target_semaphore(%arg4 : memref<!tpu.dma_semaphore, #tpu.memory_space<semaphore_mem>>)
    %dma_start3A_164 = arith.constant 33 : i32
    %dma_start3A_165 = arith.constant 0 : i32
    %dma_start3A_166 = arith.constant 0 : i32
    %dma_start3A_167 = tpu.memref_slice %arg1[%dma_start3A_164, %dma_start3A_165, %dma_start3A_166] : memref<51x16384x128xf32, #tpu.memory_space<any>> -> memref<1x16384x128xf32, #tpu.memory_space<any>>
    %dma_start3A_168 = tpu.memref_squeeze %dma_start3A_167 : memref<1x16384x128xf32, #tpu.memory_space<any>> -> memref<16384x128xf32, #tpu.memory_space<any>>
    tpu.enqueue_dma source(%arg2 : memref<16384x128xf32, #tpu.memory_space<vmem>>) target(%dma_start3A_168 : memref<16384x128xf32, #tpu.memory_space<any>>) target_semaphore(%arg4 : memref<!tpu.dma_semaphore, #tpu.memory_space<semaphore_mem>>)
    %dma_start3A_169 = arith.constant 34 : i32
    %dma_start3A_170 = arith.constant 0 : i32
    %dma_start3A_171 = arith.constant 0 : i32
    %dma_start3A_172 = tpu.memref_slice %arg1[%dma_start3A_169, %dma_start3A_170, %dma_start3A_171] : memref<51x16384x128xf32, #tpu.memory_space<any>> -> memref<1x16384x128xf32, #tpu.memory_space<any>>
    %dma_start3A_173 = tpu.memref_squeeze %dma_start3A_172 : memref<1x16384x128xf32, #tpu.memory_space<any>> -> memref<16384x128xf32, #tpu.memory_space<any>>
    tpu.enqueue_dma source(%arg2 : memref<16384x128xf32, #tpu.memory_space<vmem>>) target(%dma_start3A_173 : memref<16384x128xf32, #tpu.memory_space<any>>) target_semaphore(%arg4 : memref<!tpu.dma_semaphore, #tpu.memory_space<semaphore_mem>>)
    %dma_start3A_174 = arith.constant 35 : i32
    %dma_start3A_175 = arith.constant 0 : i32
    %dma_start3A_176 = arith.constant 0 : i32
    %dma_start3A_177 = tpu.memref_slice %arg1[%dma_start3A_174, %dma_start3A_175, %dma_start3A_176] : memref<51x16384x128xf32, #tpu.memory_space<any>> -> memref<1x16384x128xf32, #tpu.memory_space<any>>
    %dma_start3A_178 = tpu.memref_squeeze %dma_start3A_177 : memref<1x16384x128xf32, #tpu.memory_space<any>> -> memref<16384x128xf32, #tpu.memory_space<any>>
    tpu.enqueue_dma source(%arg2 : memref<16384x128xf32, #tpu.memory_space<vmem>>) target(%dma_start3A_178 : memref<16384x128xf32, #tpu.memory_space<any>>) target_semaphore(%arg4 : memref<!tpu.dma_semaphore, #tpu.memory_space<semaphore_mem>>)
    %dma_start3A_179 = arith.constant 36 : i32
    %dma_start3A_180 = arith.constant 0 : i32
    %dma_start3A_181 = arith.constant 0 : i32
    %dma_start3A_182 = tpu.memref_slice %arg1[%dma_start3A_179, %dma_start3A_180, %dma_start3A_181] : memref<51x16384x128xf32, #tpu.memory_space<any>> -> memref<1x16384x128xf32, #tpu.memory_space<any>>
    %dma_start3A_183 = tpu.memref_squeeze %dma_start3A_182 : memref<1x16384x128xf32, #tpu.memory_space<any>> -> memref<16384x128xf32, #tpu.memory_space<any>>
    tpu.enqueue_dma source(%arg2 : memref<16384x128xf32, #tpu.memory_space<vmem>>) target(%dma_start3A_183 : memref<16384x128xf32, #tpu.memory_space<any>>) target_semaphore(%arg4 : memref<!tpu.dma_semaphore, #tpu.memory_space<semaphore_mem>>)
    %dma_start3A_184 = arith.constant 37 : i32
    %dma_start3A_185 = arith.constant 0 : i32
    %dma_start3A_186 = arith.constant 0 : i32
    %dma_start3A_187 = tpu.memref_slice %arg1[%dma_start3A_184, %dma_start3A_185, %dma_start3A_186] : memref<51x16384x128xf32, #tpu.memory_space<any>> -> memref<1x16384x128xf32, #tpu.memory_space<any>>
    %dma_start3A_188 = tpu.memref_squeeze %dma_start3A_187 : memref<1x16384x128xf32, #tpu.memory_space<any>> -> memref<16384x128xf32, #tpu.memory_space<any>>
    tpu.enqueue_dma source(%arg2 : memref<16384x128xf32, #tpu.memory_space<vmem>>) target(%dma_start3A_188 : memref<16384x128xf32, #tpu.memory_space<any>>) target_semaphore(%arg4 : memref<!tpu.dma_semaphore, #tpu.memory_space<semaphore_mem>>)
    %dma_start3A_189 = arith.constant 38 : i32
    %dma_start3A_190 = arith.constant 0 : i32
    %dma_start3A_191 = arith.constant 0 : i32
    %dma_start3A_192 = tpu.memref_slice %arg1[%dma_start3A_189, %dma_start3A_190, %dma_start3A_191] : memref<51x16384x128xf32, #tpu.memory_space<any>> -> memref<1x16384x128xf32, #tpu.memory_space<any>>
    %dma_start3A_193 = tpu.memref_squeeze %dma_start3A_192 : memref<1x16384x128xf32, #tpu.memory_space<any>> -> memref<16384x128xf32, #tpu.memory_space<any>>
    tpu.enqueue_dma source(%arg2 : memref<16384x128xf32, #tpu.memory_space<vmem>>) target(%dma_start3A_193 : memref<16384x128xf32, #tpu.memory_space<any>>) target_semaphore(%arg4 : memref<!tpu.dma_semaphore, #tpu.memory_space<semaphore_mem>>)
    %dma_start3A_194 = arith.constant 39 : i32
    %dma_start3A_195 = arith.constant 0 : i32
    %dma_start3A_196 = arith.constant 0 : i32
    %dma_start3A_197 = tpu.memref_slice %arg1[%dma_start3A_194, %dma_start3A_195, %dma_start3A_196] : memref<51x16384x128xf32, #tpu.memory_space<any>> -> memref<1x16384x128xf32, #tpu.memory_space<any>>
    %dma_start3A_198 = tpu.memref_squeeze %dma_start3A_197 : memref<1x16384x128xf32, #tpu.memory_space<any>> -> memref<16384x128xf32, #tpu.memory_space<any>>
    tpu.enqueue_dma source(%arg2 : memref<16384x128xf32, #tpu.memory_space<vmem>>) target(%dma_start3A_198 : memref<16384x128xf32, #tpu.memory_space<any>>) target_semaphore(%arg4 : memref<!tpu.dma_semaphore, #tpu.memory_space<semaphore_mem>>)
    %dma_start3A_199 = arith.constant 40 : i32
    %dma_start3A_200 = arith.constant 0 : i32
    %dma_start3A_201 = arith.constant 0 : i32
    %dma_start3A_202 = tpu.memref_slice %arg1[%dma_start3A_199, %dma_start3A_200, %dma_start3A_201] : memref<51x16384x128xf32, #tpu.memory_space<any>> -> memref<1x16384x128xf32, #tpu.memory_space<any>>
    %dma_start3A_203 = tpu.memref_squeeze %dma_start3A_202 : memref<1x16384x128xf32, #tpu.memory_space<any>> -> memref<16384x128xf32, #tpu.memory_space<any>>
    tpu.enqueue_dma source(%arg2 : memref<16384x128xf32, #tpu.memory_space<vmem>>) target(%dma_start3A_203 : memref<16384x128xf32, #tpu.memory_space<any>>) target_semaphore(%arg4 : memref<!tpu.dma_semaphore, #tpu.memory_space<semaphore_mem>>)
    %dma_start3A_204 = arith.constant 41 : i32
    %dma_start3A_205 = arith.constant 0 : i32
    %dma_start3A_206 = arith.constant 0 : i32
    %dma_start3A_207 = tpu.memref_slice %arg1[%dma_start3A_204, %dma_start3A_205, %dma_start3A_206] : memref<51x16384x128xf32, #tpu.memory_space<any>> -> memref<1x16384x128xf32, #tpu.memory_space<any>>
    %dma_start3A_208 = tpu.memref_squeeze %dma_start3A_207 : memref<1x16384x128xf32, #tpu.memory_space<any>> -> memref<16384x128xf32, #tpu.memory_space<any>>
    tpu.enqueue_dma source(%arg2 : memref<16384x128xf32, #tpu.memory_space<vmem>>) target(%dma_start3A_208 : memref<16384x128xf32, #tpu.memory_space<any>>) target_semaphore(%arg4 : memref<!tpu.dma_semaphore, #tpu.memory_space<semaphore_mem>>)
    %dma_start3A_209 = arith.constant 42 : i32
    %dma_start3A_210 = arith.constant 0 : i32
    %dma_start3A_211 = arith.constant 0 : i32
    %dma_start3A_212 = tpu.memref_slice %arg1[%dma_start3A_209, %dma_start3A_210, %dma_start3A_211] : memref<51x16384x128xf32, #tpu.memory_space<any>> -> memref<1x16384x128xf32, #tpu.memory_space<any>>
    %dma_start3A_213 = tpu.memref_squeeze %dma_start3A_212 : memref<1x16384x128xf32, #tpu.memory_space<any>> -> memref<16384x128xf32, #tpu.memory_space<any>>
    tpu.enqueue_dma source(%arg2 : memref<16384x128xf32, #tpu.memory_space<vmem>>) target(%dma_start3A_213 : memref<16384x128xf32, #tpu.memory_space<any>>) target_semaphore(%arg4 : memref<!tpu.dma_semaphore, #tpu.memory_space<semaphore_mem>>)
    %dma_start3A_214 = arith.constant 43 : i32
    %dma_start3A_215 = arith.constant 0 : i32
    %dma_start3A_216 = arith.constant 0 : i32
    %dma_start3A_217 = tpu.memref_slice %arg1[%dma_start3A_214, %dma_start3A_215, %dma_start3A_216] : memref<51x16384x128xf32, #tpu.memory_space<any>> -> memref<1x16384x128xf32, #tpu.memory_space<any>>
    %dma_start3A_218 = tpu.memref_squeeze %dma_start3A_217 : memref<1x16384x128xf32, #tpu.memory_space<any>> -> memref<16384x128xf32, #tpu.memory_space<any>>
    tpu.enqueue_dma source(%arg2 : memref<16384x128xf32, #tpu.memory_space<vmem>>) target(%dma_start3A_218 : memref<16384x128xf32, #tpu.memory_space<any>>) target_semaphore(%arg4 : memref<!tpu.dma_semaphore, #tpu.memory_space<semaphore_mem>>)
    %dma_start3A_219 = arith.constant 44 : i32
    %dma_start3A_220 = arith.constant 0 : i32
    %dma_start3A_221 = arith.constant 0 : i32
    %dma_start3A_222 = tpu.memref_slice %arg1[%dma_start3A_219, %dma_start3A_220, %dma_start3A_221] : memref<51x16384x128xf32, #tpu.memory_space<any>> -> memref<1x16384x128xf32, #tpu.memory_space<any>>
    %dma_start3A_223 = tpu.memref_squeeze %dma_start3A_222 : memref<1x16384x128xf32, #tpu.memory_space<any>> -> memref<16384x128xf32, #tpu.memory_space<any>>
    tpu.enqueue_dma source(%arg2 : memref<16384x128xf32, #tpu.memory_space<vmem>>) target(%dma_start3A_223 : memref<16384x128xf32, #tpu.memory_space<any>>) target_semaphore(%arg4 : memref<!tpu.dma_semaphore, #tpu.memory_space<semaphore_mem>>)
    %dma_start3A_224 = arith.constant 45 : i32
    %dma_start3A_225 = arith.constant 0 : i32
    %dma_start3A_226 = arith.constant 0 : i32
    %dma_start3A_227 = tpu.memref_slice %arg1[%dma_start3A_224, %dma_start3A_225, %dma_start3A_226] : memref<51x16384x128xf32, #tpu.memory_space<any>> -> memref<1x16384x128xf32, #tpu.memory_space<any>>
    %dma_start3A_228 = tpu.memref_squeeze %dma_start3A_227 : memref<1x16384x128xf32, #tpu.memory_space<any>> -> memref<16384x128xf32, #tpu.memory_space<any>>
    tpu.enqueue_dma source(%arg2 : memref<16384x128xf32, #tpu.memory_space<vmem>>) target(%dma_start3A_228 : memref<16384x128xf32, #tpu.memory_space<any>>) target_semaphore(%arg4 : memref<!tpu.dma_semaphore, #tpu.memory_space<semaphore_mem>>)
    %dma_start3A_229 = arith.constant 46 : i32
    %dma_start3A_230 = arith.constant 0 : i32
    %dma_start3A_231 = arith.constant 0 : i32
    %dma_start3A_232 = tpu.memref_slice %arg1[%dma_start3A_229, %dma_start3A_230, %dma_start3A_231] : memref<51x16384x128xf32, #tpu.memory_space<any>> -> memref<1x16384x128xf32, #tpu.memory_space<any>>
    %dma_start3A_233 = tpu.memref_squeeze %dma_start3A_232 : memref<1x16384x128xf32, #tpu.memory_space<any>> -> memref<16384x128xf32, #tpu.memory_space<any>>
    tpu.enqueue_dma source(%arg2 : memref<16384x128xf32, #tpu.memory_space<vmem>>) target(%dma_start3A_233 : memref<16384x128xf32, #tpu.memory_space<any>>) target_semaphore(%arg4 : memref<!tpu.dma_semaphore, #tpu.memory_space<semaphore_mem>>)
    %dma_start3A_234 = arith.constant 47 : i32
    %dma_start3A_235 = arith.constant 0 : i32
    %dma_start3A_236 = arith.constant 0 : i32
    %dma_start3A_237 = tpu.memref_slice %arg1[%dma_start3A_234, %dma_start3A_235, %dma_start3A_236] : memref<51x16384x128xf32, #tpu.memory_space<any>> -> memref<1x16384x128xf32, #tpu.memory_space<any>>
    %dma_start3A_238 = tpu.memref_squeeze %dma_start3A_237 : memref<1x16384x128xf32, #tpu.memory_space<any>> -> memref<16384x128xf32, #tpu.memory_space<any>>
    tpu.enqueue_dma source(%arg2 : memref<16384x128xf32, #tpu.memory_space<vmem>>) target(%dma_start3A_238 : memref<16384x128xf32, #tpu.memory_space<any>>) target_semaphore(%arg4 : memref<!tpu.dma_semaphore, #tpu.memory_space<semaphore_mem>>)
    %dma_start3A_239 = arith.constant 48 : i32
    %dma_start3A_240 = arith.constant 0 : i32
    %dma_start3A_241 = arith.constant 0 : i32
    %dma_start3A_242 = tpu.memref_slice %arg1[%dma_start3A_239, %dma_start3A_240, %dma_start3A_241] : memref<51x16384x128xf32, #tpu.memory_space<any>> -> memref<1x16384x128xf32, #tpu.memory_space<any>>
    %dma_start3A_243 = tpu.memref_squeeze %dma_start3A_242 : memref<1x16384x128xf32, #tpu.memory_space<any>> -> memref<16384x128xf32, #tpu.memory_space<any>>
    tpu.enqueue_dma source(%arg2 : memref<16384x128xf32, #tpu.memory_space<vmem>>) target(%dma_start3A_243 : memref<16384x128xf32, #tpu.memory_space<any>>) target_semaphore(%arg4 : memref<!tpu.dma_semaphore, #tpu.memory_space<semaphore_mem>>)
    %dma_start3A_244 = arith.constant 49 : i32
    %dma_start3A_245 = arith.constant 0 : i32
    %dma_start3A_246 = arith.constant 0 : i32
    %dma_start3A_247 = tpu.memref_slice %arg1[%dma_start3A_244, %dma_start3A_245, %dma_start3A_246] : memref<51x16384x128xf32, #tpu.memory_space<any>> -> memref<1x16384x128xf32, #tpu.memory_space<any>>
    %dma_start3A_248 = tpu.memref_squeeze %dma_start3A_247 : memref<1x16384x128xf32, #tpu.memory_space<any>> -> memref<16384x128xf32, #tpu.memory_space<any>>
    tpu.enqueue_dma source(%arg2 : memref<16384x128xf32, #tpu.memory_space<vmem>>) target(%dma_start3A_248 : memref<16384x128xf32, #tpu.memory_space<any>>) target_semaphore(%arg4 : memref<!tpu.dma_semaphore, #tpu.memory_space<semaphore_mem>>)
    %dma_start3A_249 = arith.constant 50 : i32
    %dma_start3A_250 = arith.constant 0 : i32
    %dma_start3A_251 = arith.constant 0 : i32
    %dma_start3A_252 = tpu.memref_slice %arg1[%dma_start3A_249, %dma_start3A_250, %dma_start3A_251] : memref<51x16384x128xf32, #tpu.memory_space<any>> -> memref<1x16384x128xf32, #tpu.memory_space<any>>
    %dma_start3A_253 = tpu.memref_squeeze %dma_start3A_252 : memref<1x16384x128xf32, #tpu.memory_space<any>> -> memref<16384x128xf32, #tpu.memory_space<any>>
    tpu.enqueue_dma source(%arg2 : memref<16384x128xf32, #tpu.memory_space<vmem>>) target(%dma_start3A_253 : memref<16384x128xf32, #tpu.memory_space<any>>) target_semaphore(%arg4 : memref<!tpu.dma_semaphore, #tpu.memory_space<semaphore_mem>>)
    %dma_wait3A = arith.constant 0 : i32
    %dma_wait3A_254 = arith.constant 0 : i32
    %dma_wait3A_255 = arith.constant 0 : i32
    %dma_wait3A_256 = tpu.memref_slice %arg1[%dma_wait3A, %dma_wait3A_254, %dma_wait3A_255] : memref<51x16384x128xf32, #tpu.memory_space<any>> -> memref<1x16384x128xf32, #tpu.memory_space<any>>
    %dma_wait3A_257 = tpu.memref_squeeze %dma_wait3A_256 : memref<1x16384x128xf32, #tpu.memory_space<any>> -> memref<16384x128xf32, #tpu.memory_space<any>>
    tpu.wait_dma2 semaphore(%arg4 : memref<!tpu.dma_semaphore, #tpu.memory_space<semaphore_mem>>) src(%arg2 : memref<16384x128xf32, #tpu.memory_space<vmem>>) dst(%dma_wait3A_257 : memref<16384x128xf32, #tpu.memory_space<any>>)
    %dma_wait3A_258 = arith.constant 1 : i32
    %dma_wait3A_259 = arith.constant 0 : i32
    %dma_wait3A_260 = arith.constant 0 : i32
    %dma_wait3A_261 = tpu.memref_slice %arg1[%dma_wait3A_258, %dma_wait3A_259, %dma_wait3A_260] : memref<51x16384x128xf32, #tpu.memory_space<any>> -> memref<1x16384x128xf32, #tpu.memory_space<any>>
    %dma_wait3A_262 = tpu.memref_squeeze %dma_wait3A_261 : memref<1x16384x128xf32, #tpu.memory_space<any>> -> memref<16384x128xf32, #tpu.memory_space<any>>
    tpu.wait_dma2 semaphore(%arg4 : memref<!tpu.dma_semaphore, #tpu.memory_space<semaphore_mem>>) src(%arg2 : memref<16384x128xf32, #tpu.memory_space<vmem>>) dst(%dma_wait3A_262 : memref<16384x128xf32, #tpu.memory_space<any>>)
    %dma_wait3A_263 = arith.constant 2 : i32
    %dma_wait3A_264 = arith.constant 0 : i32
    %dma_wait3A_265 = arith.constant 0 : i32
    %dma_wait3A_266 = tpu.memref_slice %arg1[%dma_wait3A_263, %dma_wait3A_264, %dma_wait3A_265] : memref<51x16384x128xf32, #tpu.memory_space<any>> -> memref<1x16384x128xf32, #tpu.memory_space<any>>
    %dma_wait3A_267 = tpu.memref_squeeze %dma_wait3A_266 : memref<1x16384x128xf32, #tpu.memory_space<any>> -> memref<16384x128xf32, #tpu.memory_space<any>>
    tpu.wait_dma2 semaphore(%arg4 : memref<!tpu.dma_semaphore, #tpu.memory_space<semaphore_mem>>) src(%arg2 : memref<16384x128xf32, #tpu.memory_space<vmem>>) dst(%dma_wait3A_267 : memref<16384x128xf32, #tpu.memory_space<any>>)
    %dma_wait3A_268 = arith.constant 3 : i32
    %dma_wait3A_269 = arith.constant 0 : i32
    %dma_wait3A_270 = arith.constant 0 : i32
    %dma_wait3A_271 = tpu.memref_slice %arg1[%dma_wait3A_268, %dma_wait3A_269, %dma_wait3A_270] : memref<51x16384x128xf32, #tpu.memory_space<any>> -> memref<1x16384x128xf32, #tpu.memory_space<any>>
    %dma_wait3A_272 = tpu.memref_squeeze %dma_wait3A_271 : memref<1x16384x128xf32, #tpu.memory_space<any>> -> memref<16384x128xf32, #tpu.memory_space<any>>
    tpu.wait_dma2 semaphore(%arg4 : memref<!tpu.dma_semaphore, #tpu.memory_space<semaphore_mem>>) src(%arg2 : memref<16384x128xf32, #tpu.memory_space<vmem>>) dst(%dma_wait3A_272 : memref<16384x128xf32, #tpu.memory_space<any>>)
    %dma_wait3A_273 = arith.constant 4 : i32
    %dma_wait3A_274 = arith.constant 0 : i32
    %dma_wait3A_275 = arith.constant 0 : i32
    %dma_wait3A_276 = tpu.memref_slice %arg1[%dma_wait3A_273, %dma_wait3A_274, %dma_wait3A_275] : memref<51x16384x128xf32, #tpu.memory_space<any>> -> memref<1x16384x128xf32, #tpu.memory_space<any>>
    %dma_wait3A_277 = tpu.memref_squeeze %dma_wait3A_276 : memref<1x16384x128xf32, #tpu.memory_space<any>> -> memref<16384x128xf32, #tpu.memory_space<any>>
    tpu.wait_dma2 semaphore(%arg4 : memref<!tpu.dma_semaphore, #tpu.memory_space<semaphore_mem>>) src(%arg2 : memref<16384x128xf32, #tpu.memory_space<vmem>>) dst(%dma_wait3A_277 : memref<16384x128xf32, #tpu.memory_space<any>>)
    %dma_wait3A_278 = arith.constant 5 : i32
    %dma_wait3A_279 = arith.constant 0 : i32
    %dma_wait3A_280 = arith.constant 0 : i32
    %dma_wait3A_281 = tpu.memref_slice %arg1[%dma_wait3A_278, %dma_wait3A_279, %dma_wait3A_280] : memref<51x16384x128xf32, #tpu.memory_space<any>> -> memref<1x16384x128xf32, #tpu.memory_space<any>>
    %dma_wait3A_282 = tpu.memref_squeeze %dma_wait3A_281 : memref<1x16384x128xf32, #tpu.memory_space<any>> -> memref<16384x128xf32, #tpu.memory_space<any>>
    tpu.wait_dma2 semaphore(%arg4 : memref<!tpu.dma_semaphore, #tpu.memory_space<semaphore_mem>>) src(%arg2 : memref<16384x128xf32, #tpu.memory_space<vmem>>) dst(%dma_wait3A_282 : memref<16384x128xf32, #tpu.memory_space<any>>)
    %dma_wait3A_283 = arith.constant 6 : i32
    %dma_wait3A_284 = arith.constant 0 : i32
    %dma_wait3A_285 = arith.constant 0 : i32
    %dma_wait3A_286 = tpu.memref_slice %arg1[%dma_wait3A_283, %dma_wait3A_284, %dma_wait3A_285] : memref<51x16384x128xf32, #tpu.memory_space<any>> -> memref<1x16384x128xf32, #tpu.memory_space<any>>
    %dma_wait3A_287 = tpu.memref_squeeze %dma_wait3A_286 : memref<1x16384x128xf32, #tpu.memory_space<any>> -> memref<16384x128xf32, #tpu.memory_space<any>>
    tpu.wait_dma2 semaphore(%arg4 : memref<!tpu.dma_semaphore, #tpu.memory_space<semaphore_mem>>) src(%arg2 : memref<16384x128xf32, #tpu.memory_space<vmem>>) dst(%dma_wait3A_287 : memref<16384x128xf32, #tpu.memory_space<any>>)
    %dma_wait3A_288 = arith.constant 7 : i32
    %dma_wait3A_289 = arith.constant 0 : i32
    %dma_wait3A_290 = arith.constant 0 : i32
    %dma_wait3A_291 = tpu.memref_slice %arg1[%dma_wait3A_288, %dma_wait3A_289, %dma_wait3A_290] : memref<51x16384x128xf32, #tpu.memory_space<any>> -> memref<1x16384x128xf32, #tpu.memory_space<any>>
    %dma_wait3A_292 = tpu.memref_squeeze %dma_wait3A_291 : memref<1x16384x128xf32, #tpu.memory_space<any>> -> memref<16384x128xf32, #tpu.memory_space<any>>
    tpu.wait_dma2 semaphore(%arg4 : memref<!tpu.dma_semaphore, #tpu.memory_space<semaphore_mem>>) src(%arg2 : memref<16384x128xf32, #tpu.memory_space<vmem>>) dst(%dma_wait3A_292 : memref<16384x128xf32, #tpu.memory_space<any>>)
    %dma_wait3A_293 = arith.constant 8 : i32
    %dma_wait3A_294 = arith.constant 0 : i32
    %dma_wait3A_295 = arith.constant 0 : i32
    %dma_wait3A_296 = tpu.memref_slice %arg1[%dma_wait3A_293, %dma_wait3A_294, %dma_wait3A_295] : memref<51x16384x128xf32, #tpu.memory_space<any>> -> memref<1x16384x128xf32, #tpu.memory_space<any>>
    %dma_wait3A_297 = tpu.memref_squeeze %dma_wait3A_296 : memref<1x16384x128xf32, #tpu.memory_space<any>> -> memref<16384x128xf32, #tpu.memory_space<any>>
    tpu.wait_dma2 semaphore(%arg4 : memref<!tpu.dma_semaphore, #tpu.memory_space<semaphore_mem>>) src(%arg2 : memref<16384x128xf32, #tpu.memory_space<vmem>>) dst(%dma_wait3A_297 : memref<16384x128xf32, #tpu.memory_space<any>>)
    %dma_wait3A_298 = arith.constant 9 : i32
    %dma_wait3A_299 = arith.constant 0 : i32
    %dma_wait3A_300 = arith.constant 0 : i32
    %dma_wait3A_301 = tpu.memref_slice %arg1[%dma_wait3A_298, %dma_wait3A_299, %dma_wait3A_300] : memref<51x16384x128xf32, #tpu.memory_space<any>> -> memref<1x16384x128xf32, #tpu.memory_space<any>>
    %dma_wait3A_302 = tpu.memref_squeeze %dma_wait3A_301 : memref<1x16384x128xf32, #tpu.memory_space<any>> -> memref<16384x128xf32, #tpu.memory_space<any>>
    tpu.wait_dma2 semaphore(%arg4 : memref<!tpu.dma_semaphore, #tpu.memory_space<semaphore_mem>>) src(%arg2 : memref<16384x128xf32, #tpu.memory_space<vmem>>) dst(%dma_wait3A_302 : memref<16384x128xf32, #tpu.memory_space<any>>)
    %dma_wait3A_303 = arith.constant 10 : i32
    %dma_wait3A_304 = arith.constant 0 : i32
    %dma_wait3A_305 = arith.constant 0 : i32
    %dma_wait3A_306 = tpu.memref_slice %arg1[%dma_wait3A_303, %dma_wait3A_304, %dma_wait3A_305] : memref<51x16384x128xf32, #tpu.memory_space<any>> -> memref<1x16384x128xf32, #tpu.memory_space<any>>
    %dma_wait3A_307 = tpu.memref_squeeze %dma_wait3A_306 : memref<1x16384x128xf32, #tpu.memory_space<any>> -> memref<16384x128xf32, #tpu.memory_space<any>>
    tpu.wait_dma2 semaphore(%arg4 : memref<!tpu.dma_semaphore, #tpu.memory_space<semaphore_mem>>) src(%arg2 : memref<16384x128xf32, #tpu.memory_space<vmem>>) dst(%dma_wait3A_307 : memref<16384x128xf32, #tpu.memory_space<any>>)
    %dma_wait3A_308 = arith.constant 11 : i32
    %dma_wait3A_309 = arith.constant 0 : i32
    %dma_wait3A_310 = arith.constant 0 : i32
    %dma_wait3A_311 = tpu.memref_slice %arg1[%dma_wait3A_308, %dma_wait3A_309, %dma_wait3A_310] : memref<51x16384x128xf32, #tpu.memory_space<any>> -> memref<1x16384x128xf32, #tpu.memory_space<any>>
    %dma_wait3A_312 = tpu.memref_squeeze %dma_wait3A_311 : memref<1x16384x128xf32, #tpu.memory_space<any>> -> memref<16384x128xf32, #tpu.memory_space<any>>
    tpu.wait_dma2 semaphore(%arg4 : memref<!tpu.dma_semaphore, #tpu.memory_space<semaphore_mem>>) src(%arg2 : memref<16384x128xf32, #tpu.memory_space<vmem>>) dst(%dma_wait3A_312 : memref<16384x128xf32, #tpu.memory_space<any>>)
    %dma_wait3A_313 = arith.constant 12 : i32
    %dma_wait3A_314 = arith.constant 0 : i32
    %dma_wait3A_315 = arith.constant 0 : i32
    %dma_wait3A_316 = tpu.memref_slice %arg1[%dma_wait3A_313, %dma_wait3A_314, %dma_wait3A_315] : memref<51x16384x128xf32, #tpu.memory_space<any>> -> memref<1x16384x128xf32, #tpu.memory_space<any>>
    %dma_wait3A_317 = tpu.memref_squeeze %dma_wait3A_316 : memref<1x16384x128xf32, #tpu.memory_space<any>> -> memref<16384x128xf32, #tpu.memory_space<any>>
    tpu.wait_dma2 semaphore(%arg4 : memref<!tpu.dma_semaphore, #tpu.memory_space<semaphore_mem>>) src(%arg2 : memref<16384x128xf32, #tpu.memory_space<vmem>>) dst(%dma_wait3A_317 : memref<16384x128xf32, #tpu.memory_space<any>>)
    %dma_wait3A_318 = arith.constant 13 : i32
    %dma_wait3A_319 = arith.constant 0 : i32
    %dma_wait3A_320 = arith.constant 0 : i32
    %dma_wait3A_321 = tpu.memref_slice %arg1[%dma_wait3A_318, %dma_wait3A_319, %dma_wait3A_320] : memref<51x16384x128xf32, #tpu.memory_space<any>> -> memref<1x16384x128xf32, #tpu.memory_space<any>>
    %dma_wait3A_322 = tpu.memref_squeeze %dma_wait3A_321 : memref<1x16384x128xf32, #tpu.memory_space<any>> -> memref<16384x128xf32, #tpu.memory_space<any>>
    tpu.wait_dma2 semaphore(%arg4 : memref<!tpu.dma_semaphore, #tpu.memory_space<semaphore_mem>>) src(%arg2 : memref<16384x128xf32, #tpu.memory_space<vmem>>) dst(%dma_wait3A_322 : memref<16384x128xf32, #tpu.memory_space<any>>)
    %dma_wait3A_323 = arith.constant 14 : i32
    %dma_wait3A_324 = arith.constant 0 : i32
    %dma_wait3A_325 = arith.constant 0 : i32
    %dma_wait3A_326 = tpu.memref_slice %arg1[%dma_wait3A_323, %dma_wait3A_324, %dma_wait3A_325] : memref<51x16384x128xf32, #tpu.memory_space<any>> -> memref<1x16384x128xf32, #tpu.memory_space<any>>
    %dma_wait3A_327 = tpu.memref_squeeze %dma_wait3A_326 : memref<1x16384x128xf32, #tpu.memory_space<any>> -> memref<16384x128xf32, #tpu.memory_space<any>>
    tpu.wait_dma2 semaphore(%arg4 : memref<!tpu.dma_semaphore, #tpu.memory_space<semaphore_mem>>) src(%arg2 : memref<16384x128xf32, #tpu.memory_space<vmem>>) dst(%dma_wait3A_327 : memref<16384x128xf32, #tpu.memory_space<any>>)
    %dma_wait3A_328 = arith.constant 15 : i32
    %dma_wait3A_329 = arith.constant 0 : i32
    %dma_wait3A_330 = arith.constant 0 : i32
    %dma_wait3A_331 = tpu.memref_slice %arg1[%dma_wait3A_328, %dma_wait3A_329, %dma_wait3A_330] : memref<51x16384x128xf32, #tpu.memory_space<any>> -> memref<1x16384x128xf32, #tpu.memory_space<any>>
    %dma_wait3A_332 = tpu.memref_squeeze %dma_wait3A_331 : memref<1x16384x128xf32, #tpu.memory_space<any>> -> memref<16384x128xf32, #tpu.memory_space<any>>
    tpu.wait_dma2 semaphore(%arg4 : memref<!tpu.dma_semaphore, #tpu.memory_space<semaphore_mem>>) src(%arg2 : memref<16384x128xf32, #tpu.memory_space<vmem>>) dst(%dma_wait3A_332 : memref<16384x128xf32, #tpu.memory_space<any>>)
    %dma_wait3A_333 = arith.constant 16 : i32
    %dma_wait3A_334 = arith.constant 0 : i32
    %dma_wait3A_335 = arith.constant 0 : i32
    %dma_wait3A_336 = tpu.memref_slice %arg1[%dma_wait3A_333, %dma_wait3A_334, %dma_wait3A_335] : memref<51x16384x128xf32, #tpu.memory_space<any>> -> memref<1x16384x128xf32, #tpu.memory_space<any>>
    %dma_wait3A_337 = tpu.memref_squeeze %dma_wait3A_336 : memref<1x16384x128xf32, #tpu.memory_space<any>> -> memref<16384x128xf32, #tpu.memory_space<any>>
    tpu.wait_dma2 semaphore(%arg4 : memref<!tpu.dma_semaphore, #tpu.memory_space<semaphore_mem>>) src(%arg2 : memref<16384x128xf32, #tpu.memory_space<vmem>>) dst(%dma_wait3A_337 : memref<16384x128xf32, #tpu.memory_space<any>>)
    %dma_wait3A_338 = arith.constant 17 : i32
    %dma_wait3A_339 = arith.constant 0 : i32
    %dma_wait3A_340 = arith.constant 0 : i32
    %dma_wait3A_341 = tpu.memref_slice %arg1[%dma_wait3A_338, %dma_wait3A_339, %dma_wait3A_340] : memref<51x16384x128xf32, #tpu.memory_space<any>> -> memref<1x16384x128xf32, #tpu.memory_space<any>>
    %dma_wait3A_342 = tpu.memref_squeeze %dma_wait3A_341 : memref<1x16384x128xf32, #tpu.memory_space<any>> -> memref<16384x128xf32, #tpu.memory_space<any>>
    tpu.wait_dma2 semaphore(%arg4 : memref<!tpu.dma_semaphore, #tpu.memory_space<semaphore_mem>>) src(%arg2 : memref<16384x128xf32, #tpu.memory_space<vmem>>) dst(%dma_wait3A_342 : memref<16384x128xf32, #tpu.memory_space<any>>)
    %dma_wait3A_343 = arith.constant 18 : i32
    %dma_wait3A_344 = arith.constant 0 : i32
    %dma_wait3A_345 = arith.constant 0 : i32
    %dma_wait3A_346 = tpu.memref_slice %arg1[%dma_wait3A_343, %dma_wait3A_344, %dma_wait3A_345] : memref<51x16384x128xf32, #tpu.memory_space<any>> -> memref<1x16384x128xf32, #tpu.memory_space<any>>
    %dma_wait3A_347 = tpu.memref_squeeze %dma_wait3A_346 : memref<1x16384x128xf32, #tpu.memory_space<any>> -> memref<16384x128xf32, #tpu.memory_space<any>>
    tpu.wait_dma2 semaphore(%arg4 : memref<!tpu.dma_semaphore, #tpu.memory_space<semaphore_mem>>) src(%arg2 : memref<16384x128xf32, #tpu.memory_space<vmem>>) dst(%dma_wait3A_347 : memref<16384x128xf32, #tpu.memory_space<any>>)
    %dma_wait3A_348 = arith.constant 19 : i32
    %dma_wait3A_349 = arith.constant 0 : i32
    %dma_wait3A_350 = arith.constant 0 : i32
    %dma_wait3A_351 = tpu.memref_slice %arg1[%dma_wait3A_348, %dma_wait3A_349, %dma_wait3A_350] : memref<51x16384x128xf32, #tpu.memory_space<any>> -> memref<1x16384x128xf32, #tpu.memory_space<any>>
    %dma_wait3A_352 = tpu.memref_squeeze %dma_wait3A_351 : memref<1x16384x128xf32, #tpu.memory_space<any>> -> memref<16384x128xf32, #tpu.memory_space<any>>
    tpu.wait_dma2 semaphore(%arg4 : memref<!tpu.dma_semaphore, #tpu.memory_space<semaphore_mem>>) src(%arg2 : memref<16384x128xf32, #tpu.memory_space<vmem>>) dst(%dma_wait3A_352 : memref<16384x128xf32, #tpu.memory_space<any>>)
    %dma_wait3A_353 = arith.constant 20 : i32
    %dma_wait3A_354 = arith.constant 0 : i32
    %dma_wait3A_355 = arith.constant 0 : i32
    %dma_wait3A_356 = tpu.memref_slice %arg1[%dma_wait3A_353, %dma_wait3A_354, %dma_wait3A_355] : memref<51x16384x128xf32, #tpu.memory_space<any>> -> memref<1x16384x128xf32, #tpu.memory_space<any>>
    %dma_wait3A_357 = tpu.memref_squeeze %dma_wait3A_356 : memref<1x16384x128xf32, #tpu.memory_space<any>> -> memref<16384x128xf32, #tpu.memory_space<any>>
    tpu.wait_dma2 semaphore(%arg4 : memref<!tpu.dma_semaphore, #tpu.memory_space<semaphore_mem>>) src(%arg2 : memref<16384x128xf32, #tpu.memory_space<vmem>>) dst(%dma_wait3A_357 : memref<16384x128xf32, #tpu.memory_space<any>>)
    %dma_wait3A_358 = arith.constant 21 : i32
    %dma_wait3A_359 = arith.constant 0 : i32
    %dma_wait3A_360 = arith.constant 0 : i32
    %dma_wait3A_361 = tpu.memref_slice %arg1[%dma_wait3A_358, %dma_wait3A_359, %dma_wait3A_360] : memref<51x16384x128xf32, #tpu.memory_space<any>> -> memref<1x16384x128xf32, #tpu.memory_space<any>>
    %dma_wait3A_362 = tpu.memref_squeeze %dma_wait3A_361 : memref<1x16384x128xf32, #tpu.memory_space<any>> -> memref<16384x128xf32, #tpu.memory_space<any>>
    tpu.wait_dma2 semaphore(%arg4 : memref<!tpu.dma_semaphore, #tpu.memory_space<semaphore_mem>>) src(%arg2 : memref<16384x128xf32, #tpu.memory_space<vmem>>) dst(%dma_wait3A_362 : memref<16384x128xf32, #tpu.memory_space<any>>)
    %dma_wait3A_363 = arith.constant 22 : i32
    %dma_wait3A_364 = arith.constant 0 : i32
    %dma_wait3A_365 = arith.constant 0 : i32
    %dma_wait3A_366 = tpu.memref_slice %arg1[%dma_wait3A_363, %dma_wait3A_364, %dma_wait3A_365] : memref<51x16384x128xf32, #tpu.memory_space<any>> -> memref<1x16384x128xf32, #tpu.memory_space<any>>
    %dma_wait3A_367 = tpu.memref_squeeze %dma_wait3A_366 : memref<1x16384x128xf32, #tpu.memory_space<any>> -> memref<16384x128xf32, #tpu.memory_space<any>>
    tpu.wait_dma2 semaphore(%arg4 : memref<!tpu.dma_semaphore, #tpu.memory_space<semaphore_mem>>) src(%arg2 : memref<16384x128xf32, #tpu.memory_space<vmem>>) dst(%dma_wait3A_367 : memref<16384x128xf32, #tpu.memory_space<any>>)
    %dma_wait3A_368 = arith.constant 23 : i32
    %dma_wait3A_369 = arith.constant 0 : i32
    %dma_wait3A_370 = arith.constant 0 : i32
    %dma_wait3A_371 = tpu.memref_slice %arg1[%dma_wait3A_368, %dma_wait3A_369, %dma_wait3A_370] : memref<51x16384x128xf32, #tpu.memory_space<any>> -> memref<1x16384x128xf32, #tpu.memory_space<any>>
    %dma_wait3A_372 = tpu.memref_squeeze %dma_wait3A_371 : memref<1x16384x128xf32, #tpu.memory_space<any>> -> memref<16384x128xf32, #tpu.memory_space<any>>
    tpu.wait_dma2 semaphore(%arg4 : memref<!tpu.dma_semaphore, #tpu.memory_space<semaphore_mem>>) src(%arg2 : memref<16384x128xf32, #tpu.memory_space<vmem>>) dst(%dma_wait3A_372 : memref<16384x128xf32, #tpu.memory_space<any>>)
    %dma_wait3A_373 = arith.constant 24 : i32
    %dma_wait3A_374 = arith.constant 0 : i32
    %dma_wait3A_375 = arith.constant 0 : i32
    %dma_wait3A_376 = tpu.memref_slice %arg1[%dma_wait3A_373, %dma_wait3A_374, %dma_wait3A_375] : memref<51x16384x128xf32, #tpu.memory_space<any>> -> memref<1x16384x128xf32, #tpu.memory_space<any>>
    %dma_wait3A_377 = tpu.memref_squeeze %dma_wait3A_376 : memref<1x16384x128xf32, #tpu.memory_space<any>> -> memref<16384x128xf32, #tpu.memory_space<any>>
    tpu.wait_dma2 semaphore(%arg4 : memref<!tpu.dma_semaphore, #tpu.memory_space<semaphore_mem>>) src(%arg2 : memref<16384x128xf32, #tpu.memory_space<vmem>>) dst(%dma_wait3A_377 : memref<16384x128xf32, #tpu.memory_space<any>>)
    %dma_wait3A_378 = arith.constant 25 : i32
    %dma_wait3A_379 = arith.constant 0 : i32
    %dma_wait3A_380 = arith.constant 0 : i32
    %dma_wait3A_381 = tpu.memref_slice %arg1[%dma_wait3A_378, %dma_wait3A_379, %dma_wait3A_380] : memref<51x16384x128xf32, #tpu.memory_space<any>> -> memref<1x16384x128xf32, #tpu.memory_space<any>>
    %dma_wait3A_382 = tpu.memref_squeeze %dma_wait3A_381 : memref<1x16384x128xf32, #tpu.memory_space<any>> -> memref<16384x128xf32, #tpu.memory_space<any>>
    tpu.wait_dma2 semaphore(%arg4 : memref<!tpu.dma_semaphore, #tpu.memory_space<semaphore_mem>>) src(%arg2 : memref<16384x128xf32, #tpu.memory_space<vmem>>) dst(%dma_wait3A_382 : memref<16384x128xf32, #tpu.memory_space<any>>)
    %dma_wait3A_383 = arith.constant 26 : i32
    %dma_wait3A_384 = arith.constant 0 : i32
    %dma_wait3A_385 = arith.constant 0 : i32
    %dma_wait3A_386 = tpu.memref_slice %arg1[%dma_wait3A_383, %dma_wait3A_384, %dma_wait3A_385] : memref<51x16384x128xf32, #tpu.memory_space<any>> -> memref<1x16384x128xf32, #tpu.memory_space<any>>
    %dma_wait3A_387 = tpu.memref_squeeze %dma_wait3A_386 : memref<1x16384x128xf32, #tpu.memory_space<any>> -> memref<16384x128xf32, #tpu.memory_space<any>>
    tpu.wait_dma2 semaphore(%arg4 : memref<!tpu.dma_semaphore, #tpu.memory_space<semaphore_mem>>) src(%arg2 : memref<16384x128xf32, #tpu.memory_space<vmem>>) dst(%dma_wait3A_387 : memref<16384x128xf32, #tpu.memory_space<any>>)
    %dma_wait3A_388 = arith.constant 27 : i32
    %dma_wait3A_389 = arith.constant 0 : i32
    %dma_wait3A_390 = arith.constant 0 : i32
    %dma_wait3A_391 = tpu.memref_slice %arg1[%dma_wait3A_388, %dma_wait3A_389, %dma_wait3A_390] : memref<51x16384x128xf32, #tpu.memory_space<any>> -> memref<1x16384x128xf32, #tpu.memory_space<any>>
    %dma_wait3A_392 = tpu.memref_squeeze %dma_wait3A_391 : memref<1x16384x128xf32, #tpu.memory_space<any>> -> memref<16384x128xf32, #tpu.memory_space<any>>
    tpu.wait_dma2 semaphore(%arg4 : memref<!tpu.dma_semaphore, #tpu.memory_space<semaphore_mem>>) src(%arg2 : memref<16384x128xf32, #tpu.memory_space<vmem>>) dst(%dma_wait3A_392 : memref<16384x128xf32, #tpu.memory_space<any>>)
    %dma_wait3A_393 = arith.constant 28 : i32
    %dma_wait3A_394 = arith.constant 0 : i32
    %dma_wait3A_395 = arith.constant 0 : i32
    %dma_wait3A_396 = tpu.memref_slice %arg1[%dma_wait3A_393, %dma_wait3A_394, %dma_wait3A_395] : memref<51x16384x128xf32, #tpu.memory_space<any>> -> memref<1x16384x128xf32, #tpu.memory_space<any>>
    %dma_wait3A_397 = tpu.memref_squeeze %dma_wait3A_396 : memref<1x16384x128xf32, #tpu.memory_space<any>> -> memref<16384x128xf32, #tpu.memory_space<any>>
    tpu.wait_dma2 semaphore(%arg4 : memref<!tpu.dma_semaphore, #tpu.memory_space<semaphore_mem>>) src(%arg2 : memref<16384x128xf32, #tpu.memory_space<vmem>>) dst(%dma_wait3A_397 : memref<16384x128xf32, #tpu.memory_space<any>>)
    %dma_wait3A_398 = arith.constant 29 : i32
    %dma_wait3A_399 = arith.constant 0 : i32
    %dma_wait3A_400 = arith.constant 0 : i32
    %dma_wait3A_401 = tpu.memref_slice %arg1[%dma_wait3A_398, %dma_wait3A_399, %dma_wait3A_400] : memref<51x16384x128xf32, #tpu.memory_space<any>> -> memref<1x16384x128xf32, #tpu.memory_space<any>>
    %dma_wait3A_402 = tpu.memref_squeeze %dma_wait3A_401 : memref<1x16384x128xf32, #tpu.memory_space<any>> -> memref<16384x128xf32, #tpu.memory_space<any>>
    tpu.wait_dma2 semaphore(%arg4 : memref<!tpu.dma_semaphore, #tpu.memory_space<semaphore_mem>>) src(%arg2 : memref<16384x128xf32, #tpu.memory_space<vmem>>) dst(%dma_wait3A_402 : memref<16384x128xf32, #tpu.memory_space<any>>)
    %dma_wait3A_403 = arith.constant 30 : i32
    %dma_wait3A_404 = arith.constant 0 : i32
    %dma_wait3A_405 = arith.constant 0 : i32
    %dma_wait3A_406 = tpu.memref_slice %arg1[%dma_wait3A_403, %dma_wait3A_404, %dma_wait3A_405] : memref<51x16384x128xf32, #tpu.memory_space<any>> -> memref<1x16384x128xf32, #tpu.memory_space<any>>
    %dma_wait3A_407 = tpu.memref_squeeze %dma_wait3A_406 : memref<1x16384x128xf32, #tpu.memory_space<any>> -> memref<16384x128xf32, #tpu.memory_space<any>>
    tpu.wait_dma2 semaphore(%arg4 : memref<!tpu.dma_semaphore, #tpu.memory_space<semaphore_mem>>) src(%arg2 : memref<16384x128xf32, #tpu.memory_space<vmem>>) dst(%dma_wait3A_407 : memref<16384x128xf32, #tpu.memory_space<any>>)
    %dma_wait3A_408 = arith.constant 31 : i32
    %dma_wait3A_409 = arith.constant 0 : i32
    %dma_wait3A_410 = arith.constant 0 : i32
    %dma_wait3A_411 = tpu.memref_slice %arg1[%dma_wait3A_408, %dma_wait3A_409, %dma_wait3A_410] : memref<51x16384x128xf32, #tpu.memory_space<any>> -> memref<1x16384x128xf32, #tpu.memory_space<any>>
    %dma_wait3A_412 = tpu.memref_squeeze %dma_wait3A_411 : memref<1x16384x128xf32, #tpu.memory_space<any>> -> memref<16384x128xf32, #tpu.memory_space<any>>
    tpu.wait_dma2 semaphore(%arg4 : memref<!tpu.dma_semaphore, #tpu.memory_space<semaphore_mem>>) src(%arg2 : memref<16384x128xf32, #tpu.memory_space<vmem>>) dst(%dma_wait3A_412 : memref<16384x128xf32, #tpu.memory_space<any>>)
    %dma_wait3A_413 = arith.constant 32 : i32
    %dma_wait3A_414 = arith.constant 0 : i32
    %dma_wait3A_415 = arith.constant 0 : i32
    %dma_wait3A_416 = tpu.memref_slice %arg1[%dma_wait3A_413, %dma_wait3A_414, %dma_wait3A_415] : memref<51x16384x128xf32, #tpu.memory_space<any>> -> memref<1x16384x128xf32, #tpu.memory_space<any>>
    %dma_wait3A_417 = tpu.memref_squeeze %dma_wait3A_416 : memref<1x16384x128xf32, #tpu.memory_space<any>> -> memref<16384x128xf32, #tpu.memory_space<any>>
    tpu.wait_dma2 semaphore(%arg4 : memref<!tpu.dma_semaphore, #tpu.memory_space<semaphore_mem>>) src(%arg2 : memref<16384x128xf32, #tpu.memory_space<vmem>>) dst(%dma_wait3A_417 : memref<16384x128xf32, #tpu.memory_space<any>>)
    %dma_wait3A_418 = arith.constant 33 : i32
    %dma_wait3A_419 = arith.constant 0 : i32
    %dma_wait3A_420 = arith.constant 0 : i32
    %dma_wait3A_421 = tpu.memref_slice %arg1[%dma_wait3A_418, %dma_wait3A_419, %dma_wait3A_420] : memref<51x16384x128xf32, #tpu.memory_space<any>> -> memref<1x16384x128xf32, #tpu.memory_space<any>>
    %dma_wait3A_422 = tpu.memref_squeeze %dma_wait3A_421 : memref<1x16384x128xf32, #tpu.memory_space<any>> -> memref<16384x128xf32, #tpu.memory_space<any>>
    tpu.wait_dma2 semaphore(%arg4 : memref<!tpu.dma_semaphore, #tpu.memory_space<semaphore_mem>>) src(%arg2 : memref<16384x128xf32, #tpu.memory_space<vmem>>) dst(%dma_wait3A_422 : memref<16384x128xf32, #tpu.memory_space<any>>)
    %dma_wait3A_423 = arith.constant 34 : i32
    %dma_wait3A_424 = arith.constant 0 : i32
    %dma_wait3A_425 = arith.constant 0 : i32
    %dma_wait3A_426 = tpu.memref_slice %arg1[%dma_wait3A_423, %dma_wait3A_424, %dma_wait3A_425] : memref<51x16384x128xf32, #tpu.memory_space<any>> -> memref<1x16384x128xf32, #tpu.memory_space<any>>
    %dma_wait3A_427 = tpu.memref_squeeze %dma_wait3A_426 : memref<1x16384x128xf32, #tpu.memory_space<any>> -> memref<16384x128xf32, #tpu.memory_space<any>>
    tpu.wait_dma2 semaphore(%arg4 : memref<!tpu.dma_semaphore, #tpu.memory_space<semaphore_mem>>) src(%arg2 : memref<16384x128xf32, #tpu.memory_space<vmem>>) dst(%dma_wait3A_427 : memref<16384x128xf32, #tpu.memory_space<any>>)
    %dma_wait3A_428 = arith.constant 35 : i32
    %dma_wait3A_429 = arith.constant 0 : i32
    %dma_wait3A_430 = arith.constant 0 : i32
    %dma_wait3A_431 = tpu.memref_slice %arg1[%dma_wait3A_428, %dma_wait3A_429, %dma_wait3A_430] : memref<51x16384x128xf32, #tpu.memory_space<any>> -> memref<1x16384x128xf32, #tpu.memory_space<any>>
    %dma_wait3A_432 = tpu.memref_squeeze %dma_wait3A_431 : memref<1x16384x128xf32, #tpu.memory_space<any>> -> memref<16384x128xf32, #tpu.memory_space<any>>
    tpu.wait_dma2 semaphore(%arg4 : memref<!tpu.dma_semaphore, #tpu.memory_space<semaphore_mem>>) src(%arg2 : memref<16384x128xf32, #tpu.memory_space<vmem>>) dst(%dma_wait3A_432 : memref<16384x128xf32, #tpu.memory_space<any>>)
    %dma_wait3A_433 = arith.constant 36 : i32
    %dma_wait3A_434 = arith.constant 0 : i32
    %dma_wait3A_435 = arith.constant 0 : i32
    %dma_wait3A_436 = tpu.memref_slice %arg1[%dma_wait3A_433, %dma_wait3A_434, %dma_wait3A_435] : memref<51x16384x128xf32, #tpu.memory_space<any>> -> memref<1x16384x128xf32, #tpu.memory_space<any>>
    %dma_wait3A_437 = tpu.memref_squeeze %dma_wait3A_436 : memref<1x16384x128xf32, #tpu.memory_space<any>> -> memref<16384x128xf32, #tpu.memory_space<any>>
    tpu.wait_dma2 semaphore(%arg4 : memref<!tpu.dma_semaphore, #tpu.memory_space<semaphore_mem>>) src(%arg2 : memref<16384x128xf32, #tpu.memory_space<vmem>>) dst(%dma_wait3A_437 : memref<16384x128xf32, #tpu.memory_space<any>>)
    %dma_wait3A_438 = arith.constant 37 : i32
    %dma_wait3A_439 = arith.constant 0 : i32
    %dma_wait3A_440 = arith.constant 0 : i32
    %dma_wait3A_441 = tpu.memref_slice %arg1[%dma_wait3A_438, %dma_wait3A_439, %dma_wait3A_440] : memref<51x16384x128xf32, #tpu.memory_space<any>> -> memref<1x16384x128xf32, #tpu.memory_space<any>>
    %dma_wait3A_442 = tpu.memref_squeeze %dma_wait3A_441 : memref<1x16384x128xf32, #tpu.memory_space<any>> -> memref<16384x128xf32, #tpu.memory_space<any>>
    tpu.wait_dma2 semaphore(%arg4 : memref<!tpu.dma_semaphore, #tpu.memory_space<semaphore_mem>>) src(%arg2 : memref<16384x128xf32, #tpu.memory_space<vmem>>) dst(%dma_wait3A_442 : memref<16384x128xf32, #tpu.memory_space<any>>)
    %dma_wait3A_443 = arith.constant 38 : i32
    %dma_wait3A_444 = arith.constant 0 : i32
    %dma_wait3A_445 = arith.constant 0 : i32
    %dma_wait3A_446 = tpu.memref_slice %arg1[%dma_wait3A_443, %dma_wait3A_444, %dma_wait3A_445] : memref<51x16384x128xf32, #tpu.memory_space<any>> -> memref<1x16384x128xf32, #tpu.memory_space<any>>
    %dma_wait3A_447 = tpu.memref_squeeze %dma_wait3A_446 : memref<1x16384x128xf32, #tpu.memory_space<any>> -> memref<16384x128xf32, #tpu.memory_space<any>>
    tpu.wait_dma2 semaphore(%arg4 : memref<!tpu.dma_semaphore, #tpu.memory_space<semaphore_mem>>) src(%arg2 : memref<16384x128xf32, #tpu.memory_space<vmem>>) dst(%dma_wait3A_447 : memref<16384x128xf32, #tpu.memory_space<any>>)
    %dma_wait3A_448 = arith.constant 39 : i32
    %dma_wait3A_449 = arith.constant 0 : i32
    %dma_wait3A_450 = arith.constant 0 : i32
    %dma_wait3A_451 = tpu.memref_slice %arg1[%dma_wait3A_448, %dma_wait3A_449, %dma_wait3A_450] : memref<51x16384x128xf32, #tpu.memory_space<any>> -> memref<1x16384x128xf32, #tpu.memory_space<any>>
    %dma_wait3A_452 = tpu.memref_squeeze %dma_wait3A_451 : memref<1x16384x128xf32, #tpu.memory_space<any>> -> memref<16384x128xf32, #tpu.memory_space<any>>
    tpu.wait_dma2 semaphore(%arg4 : memref<!tpu.dma_semaphore, #tpu.memory_space<semaphore_mem>>) src(%arg2 : memref<16384x128xf32, #tpu.memory_space<vmem>>) dst(%dma_wait3A_452 : memref<16384x128xf32, #tpu.memory_space<any>>)
    %dma_wait3A_453 = arith.constant 40 : i32
    %dma_wait3A_454 = arith.constant 0 : i32
    %dma_wait3A_455 = arith.constant 0 : i32
    %dma_wait3A_456 = tpu.memref_slice %arg1[%dma_wait3A_453, %dma_wait3A_454, %dma_wait3A_455] : memref<51x16384x128xf32, #tpu.memory_space<any>> -> memref<1x16384x128xf32, #tpu.memory_space<any>>
    %dma_wait3A_457 = tpu.memref_squeeze %dma_wait3A_456 : memref<1x16384x128xf32, #tpu.memory_space<any>> -> memref<16384x128xf32, #tpu.memory_space<any>>
    tpu.wait_dma2 semaphore(%arg4 : memref<!tpu.dma_semaphore, #tpu.memory_space<semaphore_mem>>) src(%arg2 : memref<16384x128xf32, #tpu.memory_space<vmem>>) dst(%dma_wait3A_457 : memref<16384x128xf32, #tpu.memory_space<any>>)
    %dma_wait3A_458 = arith.constant 41 : i32
    %dma_wait3A_459 = arith.constant 0 : i32
    %dma_wait3A_460 = arith.constant 0 : i32
    %dma_wait3A_461 = tpu.memref_slice %arg1[%dma_wait3A_458, %dma_wait3A_459, %dma_wait3A_460] : memref<51x16384x128xf32, #tpu.memory_space<any>> -> memref<1x16384x128xf32, #tpu.memory_space<any>>
    %dma_wait3A_462 = tpu.memref_squeeze %dma_wait3A_461 : memref<1x16384x128xf32, #tpu.memory_space<any>> -> memref<16384x128xf32, #tpu.memory_space<any>>
    tpu.wait_dma2 semaphore(%arg4 : memref<!tpu.dma_semaphore, #tpu.memory_space<semaphore_mem>>) src(%arg2 : memref<16384x128xf32, #tpu.memory_space<vmem>>) dst(%dma_wait3A_462 : memref<16384x128xf32, #tpu.memory_space<any>>)
    %dma_wait3A_463 = arith.constant 42 : i32
    %dma_wait3A_464 = arith.constant 0 : i32
    %dma_wait3A_465 = arith.constant 0 : i32
    %dma_wait3A_466 = tpu.memref_slice %arg1[%dma_wait3A_463, %dma_wait3A_464, %dma_wait3A_465] : memref<51x16384x128xf32, #tpu.memory_space<any>> -> memref<1x16384x128xf32, #tpu.memory_space<any>>
    %dma_wait3A_467 = tpu.memref_squeeze %dma_wait3A_466 : memref<1x16384x128xf32, #tpu.memory_space<any>> -> memref<16384x128xf32, #tpu.memory_space<any>>
    tpu.wait_dma2 semaphore(%arg4 : memref<!tpu.dma_semaphore, #tpu.memory_space<semaphore_mem>>) src(%arg2 : memref<16384x128xf32, #tpu.memory_space<vmem>>) dst(%dma_wait3A_467 : memref<16384x128xf32, #tpu.memory_space<any>>)
    %dma_wait3A_468 = arith.constant 43 : i32
    %dma_wait3A_469 = arith.constant 0 : i32
    %dma_wait3A_470 = arith.constant 0 : i32
    %dma_wait3A_471 = tpu.memref_slice %arg1[%dma_wait3A_468, %dma_wait3A_469, %dma_wait3A_470] : memref<51x16384x128xf32, #tpu.memory_space<any>> -> memref<1x16384x128xf32, #tpu.memory_space<any>>
    %dma_wait3A_472 = tpu.memref_squeeze %dma_wait3A_471 : memref<1x16384x128xf32, #tpu.memory_space<any>> -> memref<16384x128xf32, #tpu.memory_space<any>>
    tpu.wait_dma2 semaphore(%arg4 : memref<!tpu.dma_semaphore, #tpu.memory_space<semaphore_mem>>) src(%arg2 : memref<16384x128xf32, #tpu.memory_space<vmem>>) dst(%dma_wait3A_472 : memref<16384x128xf32, #tpu.memory_space<any>>)
    %dma_wait3A_473 = arith.constant 44 : i32
    %dma_wait3A_474 = arith.constant 0 : i32
    %dma_wait3A_475 = arith.constant 0 : i32
    %dma_wait3A_476 = tpu.memref_slice %arg1[%dma_wait3A_473, %dma_wait3A_474, %dma_wait3A_475] : memref<51x16384x128xf32, #tpu.memory_space<any>> -> memref<1x16384x128xf32, #tpu.memory_space<any>>
    %dma_wait3A_477 = tpu.memref_squeeze %dma_wait3A_476 : memref<1x16384x128xf32, #tpu.memory_space<any>> -> memref<16384x128xf32, #tpu.memory_space<any>>
    tpu.wait_dma2 semaphore(%arg4 : memref<!tpu.dma_semaphore, #tpu.memory_space<semaphore_mem>>) src(%arg2 : memref<16384x128xf32, #tpu.memory_space<vmem>>) dst(%dma_wait3A_477 : memref<16384x128xf32, #tpu.memory_space<any>>)
    %dma_wait3A_478 = arith.constant 45 : i32
    %dma_wait3A_479 = arith.constant 0 : i32
    %dma_wait3A_480 = arith.constant 0 : i32
    %dma_wait3A_481 = tpu.memref_slice %arg1[%dma_wait3A_478, %dma_wait3A_479, %dma_wait3A_480] : memref<51x16384x128xf32, #tpu.memory_space<any>> -> memref<1x16384x128xf32, #tpu.memory_space<any>>
    %dma_wait3A_482 = tpu.memref_squeeze %dma_wait3A_481 : memref<1x16384x128xf32, #tpu.memory_space<any>> -> memref<16384x128xf32, #tpu.memory_space<any>>
    tpu.wait_dma2 semaphore(%arg4 : memref<!tpu.dma_semaphore, #tpu.memory_space<semaphore_mem>>) src(%arg2 : memref<16384x128xf32, #tpu.memory_space<vmem>>) dst(%dma_wait3A_482 : memref<16384x128xf32, #tpu.memory_space<any>>)
    %dma_wait3A_483 = arith.constant 46 : i32
    %dma_wait3A_484 = arith.constant 0 : i32
    %dma_wait3A_485 = arith.constant 0 : i32
    %dma_wait3A_486 = tpu.memref_slice %arg1[%dma_wait3A_483, %dma_wait3A_484, %dma_wait3A_485] : memref<51x16384x128xf32, #tpu.memory_space<any>> -> memref<1x16384x128xf32, #tpu.memory_space<any>>
    %dma_wait3A_487 = tpu.memref_squeeze %dma_wait3A_486 : memref<1x16384x128xf32, #tpu.memory_space<any>> -> memref<16384x128xf32, #tpu.memory_space<any>>
    tpu.wait_dma2 semaphore(%arg4 : memref<!tpu.dma_semaphore, #tpu.memory_space<semaphore_mem>>) src(%arg2 : memref<16384x128xf32, #tpu.memory_space<vmem>>) dst(%dma_wait3A_487 : memref<16384x128xf32, #tpu.memory_space<any>>)
    %dma_wait3A_488 = arith.constant 47 : i32
    %dma_wait3A_489 = arith.constant 0 : i32
    %dma_wait3A_490 = arith.constant 0 : i32
    %dma_wait3A_491 = tpu.memref_slice %arg1[%dma_wait3A_488, %dma_wait3A_489, %dma_wait3A_490] : memref<51x16384x128xf32, #tpu.memory_space<any>> -> memref<1x16384x128xf32, #tpu.memory_space<any>>
    %dma_wait3A_492 = tpu.memref_squeeze %dma_wait3A_491 : memref<1x16384x128xf32, #tpu.memory_space<any>> -> memref<16384x128xf32, #tpu.memory_space<any>>
    tpu.wait_dma2 semaphore(%arg4 : memref<!tpu.dma_semaphore, #tpu.memory_space<semaphore_mem>>) src(%arg2 : memref<16384x128xf32, #tpu.memory_space<vmem>>) dst(%dma_wait3A_492 : memref<16384x128xf32, #tpu.memory_space<any>>)
    %dma_wait3A_493 = arith.constant 48 : i32
    %dma_wait3A_494 = arith.constant 0 : i32
    %dma_wait3A_495 = arith.constant 0 : i32
    %dma_wait3A_496 = tpu.memref_slice %arg1[%dma_wait3A_493, %dma_wait3A_494, %dma_wait3A_495] : memref<51x16384x128xf32, #tpu.memory_space<any>> -> memref<1x16384x128xf32, #tpu.memory_space<any>>
    %dma_wait3A_497 = tpu.memref_squeeze %dma_wait3A_496 : memref<1x16384x128xf32, #tpu.memory_space<any>> -> memref<16384x128xf32, #tpu.memory_space<any>>
    tpu.wait_dma2 semaphore(%arg4 : memref<!tpu.dma_semaphore, #tpu.memory_space<semaphore_mem>>) src(%arg2 : memref<16384x128xf32, #tpu.memory_space<vmem>>) dst(%dma_wait3A_497 : memref<16384x128xf32, #tpu.memory_space<any>>)
    %dma_wait3A_498 = arith.constant 49 : i32
    %dma_wait3A_499 = arith.constant 0 : i32
    %dma_wait3A_500 = arith.constant 0 : i32
    %dma_wait3A_501 = tpu.memref_slice %arg1[%dma_wait3A_498, %dma_wait3A_499, %dma_wait3A_500] : memref<51x16384x128xf32, #tpu.memory_space<any>> -> memref<1x16384x128xf32, #tpu.memory_space<any>>
    %dma_wait3A_502 = tpu.memref_squeeze %dma_wait3A_501 : memref<1x16384x128xf32, #tpu.memory_space<any>> -> memref<16384x128xf32, #tpu.memory_space<any>>
    tpu.wait_dma2 semaphore(%arg4 : memref<!tpu.dma_semaphore, #tpu.memory_space<semaphore_mem>>) src(%arg2 : memref<16384x128xf32, #tpu.memory_space<vmem>>) dst(%dma_wait3A_502 : memref<16384x128xf32, #tpu.memory_space<any>>)
    %dma_wait3A_503 = arith.constant 50 : i32
    %dma_wait3A_504 = arith.constant 0 : i32
    %dma_wait3A_505 = arith.constant 0 : i32
    %dma_wait3A_506 = tpu.memref_slice %arg1[%dma_wait3A_503, %dma_wait3A_504, %dma_wait3A_505] : memref<51x16384x128xf32, #tpu.memory_space<any>> -> memref<1x16384x128xf32, #tpu.memory_space<any>>
    %dma_wait3A_507 = tpu.memref_squeeze %dma_wait3A_506 : memref<1x16384x128xf32, #tpu.memory_space<any>> -> memref<16384x128xf32, #tpu.memory_space<any>>
    tpu.wait_dma2 semaphore(%arg4 : memref<!tpu.dma_semaphore, #tpu.memory_space<semaphore_mem>>) src(%arg2 : memref<16384x128xf32, #tpu.memory_space<vmem>>) dst(%dma_wait3A_507 : memref<16384x128xf32, #tpu.memory_space<any>>)
    return
  }
}

</mosaic_0001>

<sc_bundles>
// kernel: kernel.6.cloned.1.call-start
scs
__scs_entry_jumppad:
0x0: {  	(pc) =	sbr.rel $0x88, $3  }
0x1: {  	(tag) =	ssettag $0x0;
	lr =	simm.s32 $0x1  }
0x2: {  	[smem:$0x3F9F] =	sst lr;
	_ =	strace $0xD0000000  }
0x3: {  	_ = 	snop  }
0x4: {  	_ = 	snop  }
0x5: {  	_ = 	snop  }
0x6: {  	_ = 	snop  }
0x7: {  	_ = 	snop  }
__scs_overlays_trampoline_lowered:
0x8: {  	[smem:$0x3FAE] =	sst s0  }
0x9: {  	[smem:$0x3FAF] =	sst s1  }
0xa: {  	[smem:$0x3FB0] =	sst s2  }
0xb: {  	[smem:$0x3FB1] =	sst s3  }
0xc: {  	[smem:$0x3FB2] =	sst s4  }
0xd: {  	[smem:$0x3FB3] =	sst s5  }
0xe: {  	[smem:$0x3FB4] =	sst s6  }
0xf: {  	[smem:$0x3FB5] =	sst s7  }
0x10: {  	[smem:$0x3FB6] =	sst s8  }
0x11: {  	[smem:$0x3FB7] =	sst s9;
	s0 =	simm.s32 @!p0 $0x0  }
0x12: {  	s1 =	sld [smem:$0x3F9D];
	s0 =	simm.s32 @p0 $0x1  }
0x13: {  	[smem:$0x3FB8] =	sst s0;
	s0 =	simm.s32 @!p1 $0x0  }
0x14: {  	s2 =	sld [smem:$0x3F9C];
	s0 =	simm.s32 @p1 $0x1  }
0x15: {  	[smem:$0x3FB9] =	sst s0;
	s0 =	simm.s32 @!p2 $0x0  }
0x16: {  	s3 =	sld [smem:$0x3FDB];
	s0 =	simm.s32 @p2 $0x1  }
0x17: {  	s4 =	simm.s32 $0x1BF5;
	[smem:$0x3FBB] =	sst s0  }
0x18: {  	s0 =	sld [smem:$0x3F9E];
	_ =	swait.ge [sflag:s4], $0x0  }
0x19: {  	s7 =	sld [smem:$0x3F9F]  }
0x1a: {  	s8 =	sadd.s32 $0xFFFFE003, lr  }
0x1b: {  	s9 =	sadd.s32 $0xFFFFFEF7, lr;
	s5 =	simm.s32 $0xFFFFFFFF;
	p2 =	slt.u32 s8, $0xFFFFF086  }
0x1c: {  	p1 =	slt.u32 s9, $0xF7A;
	s5 =	simm.s32 @!p2 $0x0  }
0x1d: {  	s5 =	simm.s32 @p1 $0x1;
	p0 =	seq.s32 s7, s2  }
0x1e: {  	s7 =	smul.u32 @!p0 $0xF7A, s2;
	p2 =	seq.s32 @!p0 s5, $0x0  }
0x1f: {  	s9 =	smul.u32 $0xF7A, s1;
	s8 =	simm.s32 @!p0 $0x1BF5;
	p2 =	por !p2, p0  }
0x20: {  	[sflag:s8] =	ssyncset.s32 @!p0 $0xFFFFF086;
	s6 =	sadd.s32 @!p0 s3, s7;
	s7 =	simm.s32 @!p0 $0x108  }
0x21: {  	s3 =	sadd.s32 s3, s9;
	s6 =	sadd.s32 @!p0 $0x88, s6;
	s7 =	simm.s32 @p2 $0x1082  }
0x22: {  	[simem:s7], [sflag:s8] =	dma.local @!p0 [hbm:s6], $0xF7A  }
0x23: {  	s9 =	sor.u32 $0xD0000000, s2;
	s6 =	simm.s32 $0x108;
	_ =	swait.ge @!p0 [sflag:s8], $0x0  }
0x24: {  	s3 =	sadd.s32 $0x88, s3;
	s6 =	simm.s32 @!p1 $0x1082;
	[sflag:s4] =	ssyncset.s32 $0xFFFFF086  }
0x25: {  	[simem:s6], [sflag:s4] =	dma.local [hbm:s3], $0xF7A  }
0x26: {  	[smem:$0x3F9F] =	sst s1;
	(tag) =	ssettag s2;
	_ =	strace s9  }
0x27: {  	s1 =	sld [smem:$0x3FAF]  }
0x28: {  	s2 =	sld [smem:$0x3FB0]  }
0x29: {  	s4 =	sld [smem:$0x3FB2]  }
0x2a: {  	p0 =	seq.s32 s5, $0x0;
	s5 =	sld [smem:$0x3FB3]  }
0x2b: {  	s6 =	sld [smem:$0x3FB4]  }
0x2c: {  	s7 =	sld [smem:$0x3FB5]  }
0x2d: {  	s3 =	simm.s32 $0x108;
	s8 =	sld [smem:$0x3FB6]  }
0x2e: {  	s3 =	simm.s32 @!p0 $0x1082;
	s9 =	sld [smem:$0x3FB7]  }
0x2f: {  	lr =	sadd.s32 s0, s3;
	s0 =	sld [smem:$0x3FAE]  }
0x30: {  	s3 =	sld [smem:$0x3FB1]  }
0x31: {  	[smem:$0x3FBA] =	sst s10  }
0x32: {  	s10 =	sld [smem:$0x3FB8];
	_ =	sdelay $0x3  }
0x33: {  	p0 =	seq.s32 s10, $0x1;
	s10 =	sld [smem:$0x3FBA];
	_ =	sdelay $0x3  }
0x34: {  	[smem:$0x3FBA] =	sst s10  }
0x35: {  	s10 =	sld [smem:$0x3FB9];
	_ =	sdelay $0x3  }
0x36: {  	p1 =	seq.s32 s10, $0x1;
	s10 =	sld [smem:$0x3FBA];
	_ =	sdelay $0x3  }
0x37: {  	[smem:$0x3FBA] =	sst s10  }
0x38: {  	s10 =	sld [smem:$0x3FBB]  }
0x39: {  	_ = 	snop;
	(pc) =	sbr.ind lr, $3  }
0x3a: {  	_ = 	snop  }
0x3b: {  	_ = 	snop  }
0x3c: {  	p2 =	seq.s32 s10, $0x1;
	s10 =	sld [smem:$0x3FBA]  }
0x3d: {  	_ =	shalt  }
0x3e: {  	_ =	shalt  }
0x3f: {  	_ =	shalt  }
0x40: {  	_ =	shalt  }
0x41: {  	_ =	shalt  }
0x42: {  	_ =	shalt  }
0x43: {  	_ =	shalt  }
0x44: {  	_ =	shalt  }
0x45: {  	_ =	shalt  }
0x46: {  	_ =	shalt  }
0x47: {  	_ =	shalt  }
0x48: {  	_ =	shalt  }
0x49: {  	_ =	shalt  }
0x4a: {  	_ =	shalt  }
0x4b: {  	_ =	shalt  }
0x4c: {  	_ =	shalt  }
0x4d: {  	_ =	shalt  }
0x4e: {  	_ =	shalt  }
0x4f: {  	_ =	shalt  }
0x50: {  	_ =	shalt  }
0x51: {  	_ =	shalt  }
0x52: {  	_ =	shalt  }
0x53: {  	_ =	shalt  }
0x54: {  	_ =	shalt  }
0x55: {  	_ =	shalt  }
0x56: {  	_ =	shalt  }
0x57: {  	_ =	shalt  }
0x58: {  	_ =	shalt  }
0x59: {  	_ =	shalt  }
0x5a: {  	_ =	shalt  }
0x5b: {  	_ =	shalt  }
0x5c: {  	_ =	shalt  }
0x5d: {  	_ =	shalt  }
0x5e: {  	_ =	shalt  }
0x5f: {  	_ =	shalt  }
0x60: {  	_ =	shalt  }
0x61: {  	_ =	shalt  }
0x62: {  	_ =	shalt  }
0x63: {  	_ =	shalt  }
0x64: {  	_ =	shalt  }
0x65: {  	_ =	shalt  }
0x66: {  	_ =	shalt  }
0x67: {  	_ =	shalt  }
0x68: {  	_ =	shalt  }
0x69: {  	_ =	shalt  }
0x6a: {  	_ =	shalt  }
0x6b: {  	_ =	shalt  }
0x6c: {  	_ =	shalt  }
0x6d: {  	_ =	shalt  }
0x6e: {  	_ =	shalt  }
0x6f: {  	_ =	shalt  }
0x70: {  	_ =	shalt  }
0x71: {  	_ =	shalt  }
0x72: {  	_ =	shalt  }
0x73: {  	_ =	shalt  }
0x74: {  	_ =	shalt  }
0x75: {  	_ =	shalt  }
0x76: {  	_ =	shalt  }
0x77: {  	_ =	shalt  }
0x78: {  	_ =	shalt  }
0x79: {  	_ =	shalt  }
0x7a: {  	_ =	shalt  }
0x7b: {  	_ =	shalt  }
0x7c: {  	_ =	shalt  }
0x7d: {  	_ =	shalt  }
0x7e: {  	_ =	shalt  }
0x7f: {  	_ =	shalt  }
0x80: {  	_ =	shalt  }
0x81: {  	_ =	shalt  }
0x82: {  	_ =	shalt  }
0x83: {  	_ =	shalt  }
0x84: {  	_ =	shalt  }
0x85: {  	_ =	shalt  }
0x86: {  	_ =	shalt  }
0x87: {  	_ =	shalt  }
.Lfunc_end0:
.L_simem_size_0:
called_computation_lowered:
.L_overlay_start_0:
0x88: {  	s2 =	sld [smem:$0x3FD9]  }
0x89: {  	s3 =	sld [smem:$0x3FFE];
	_ =	sdelay $0x1  }
0x8a: {  	s1 =	srdreg.scid  }
0x8b: {  	s0 =	sand.u32 $0x1, s1  }
0x8c: {  	s14 =	sshll.u32 s0, $0xA;
	s2 =	sadd.s32 s3, s2  }
0x8d: {  	s2 =	sadd.s32 s2, s14  }
0x8e: {  	[smem:$0x3FC6] =	sst s2  }
0x8f: {  	_ = 	snop  }
0x90: {  	s2 =	sld [smem:$0x3FD0];
	_ =	sdelay $0x2  }
0x91: {  	s15 =	simm.s32 $0xB;
	s4 =	simm.s32 $0x10  }
0x92: {  	[smem:s4], [sflag:s15] =	dma.local [hbm:s2], $0x1  }
0x93: {  	_ =	swait.eq [sflag:s15], $0x1  }
0x94: {  	[sflag:s15] =	ssyncset.done $0x0  }
0x95: {  	[sflag:s15] =	ssyncadd.s32 $0xFFFFFFFF  }
0x96: {  	s16 =	sld [smem:$0x10];
	(tm) =	ssettm $0x1  }
0x97: {  	s17 =	sld [smem:$0x3FFB];
	_ =	sdelay $0x3  }
0x98: {  	_ =	strace s17  }
0x99: {  	s3 =	sld [smem:$0x3FFC];
	_ =	sdelay $0x3  }
0x9a: {  	_ =	strace s3  }
0x9b: {  	s3 =	sld [smem:$0x3FFD];
	_ =	sdelay $0x3  }
0x9c: {  	_ =	strace s3  }
0x9d: {  	_ =	strace $0x8FFFFFFF  }
0x9e: {  	s18 =	sld [smem:$0x3FDB];
	_ =	sdelay $0x1  }
0x9f: {  	s19 =	simm.s32 $_scs_section_size  }
0xa0: {  	s5 =	simm.s32 $_size__tile_overlayer_lowered;
	s6 =	simm.s32 $_tile_overlayer_lowered  }
0xa1: {  	s22 =	simm.s32 $0x1BFF;
	s21 =	sshll.u32 s6, $0x1;
	s3 =	sadd.s32 s19, s18  }
0xa2: {  	s7 =	simm.s32 $0x0;
	s20 =	sshll.u32 s5, $0x1;
	s5 =	sadd.s32 s21, s3  }
0xa3: {  	[timem:s7], [sflag:s22] =	dma.local [hbm:s5], s20  }
0xa4: {  	_ =	swait.ge [sflag:s22], s20  }
0xa5: {  	s4 =	ssub.s32 $0x0, s20;
	[sflag:s22] =	ssyncset.done $0x0  }
0xa6: {  	[sflag:s22] =	ssyncadd.s32 s4;
	_ =	sdelay $0x1  }
0xa7: {  	s23 =	simm.s32 $0x1B8B  }
0xa8: {  	_ =	swait.ge [sflag:s23], $0x1  }
0xa9: {  	[sflag:s23] =	ssyncset.done $0x0  }
0xaa: {  	s25 =	simm.s32 $0x1B8E;
	s24 =	sld [smem:$0x3FFE];
	[sflag:s23] =	ssyncadd.s32 $0xFFFFFFFF  }
0xab: {  	s26 =	simm.s32 $execute0_lowered;
	[smem:$0x3FD2] =	sst s25  }
0xac: {  	s5 =	sshll.u32 s26, $0x1;
	_ =	strace $0x80000046;
	[dreg:$0x1] =	wrdreg $0xFFFFFFFF  }
0xad: {  	s28 =	simm.s32 $_size_execute0_lowered;
	s3 =	sadd.s32 s3, s5;
	[dreg:$0x0] =	wrdreg $0x0  }
0xae: {  	s5 =	sshll.u32 s28, $0x1;
	[dreg:$0x2] =	wrdreg s3  }
0xaf: {  	[dreg:$0x3] =	wrdreg s5  }
0xb0: {  	[dreg:$0x4] =	wrdreg $0xC0  }
0xb1: {  	_ =	task [dreg:s7], $0x5FFFF  }
0xb2: {  	[dreg:$0x1] =	wrdreg $0xFFFFFFFF  }
0xb3: {  	[dreg:$0x0] =	wrdreg $0x60  }
0xb4: {  	[dreg:$0x2] =	wrdreg s24  }
0xb5: {  	[dreg:$0x3] =	wrdreg s16  }
0xb6: {  	[dreg:$0x4] =	wrdreg $0x102000  }
0xb7: {  	[dreg:$0x5] =	wrdreg $0x9  }
0xb8: {  	_ =	task.clear_ibuf [dreg:s7], $0x6FFFF;
	_ =	strace $0x90000046  }
0xb9: {  	s29 =	simm.s32 $0x9;
	_ =	strace $0x80000048  }
0xba: {  	_ =	swait.ge [sflag:s29], $0x1  }
0xbb: {  	[sflag:s29] =	ssyncadd.s32 $0xFFFFFFFF  }
0xbc: {  	_ =	strace $0x90000048  }
0xbd: {  	_ =	sfence  }
0xbe: {  	s30 =	sld [smem:$0x0];
	_ =	sdelay $0x2  }
0xbf: {  	s31 =	sshll.u32 s1, $0xD;
	s1 =	sshrl.u32 s1, $0x2  }
0xc0: {  	s3 =	sand.u32 $0x4000, s31;
	s1 =	sadd.s32 s1, s30  }
0xc1: {  	s0 =	sor.u32 s3, s0;
	s1 =	sshll.u32 s1, $0x11  }
0xc2: {  	s0 =	sor.u32 s1, s0  }
0xc3: {  	s0 =	sadd.s32 $0x8F2B, s0  }
0xc4: {  	[sflag:s0] =	ssyncadd.remote.s32 $0x1  }
0xc5: {  	_ =	sfence.sel $0xFFFF  }
0xc6: {  	[dreg:$0x0] =	wrdreg $0xFFFFFFFF;
	(pc) =	sbr.abs _section_cstart, $3  }
0xc7: {  	[dreg:$0x1] =	wrdreg $0xFFFFFFFF  }
0xc8: {  	_ =	task.clear_ibuf [dreg:s7], $0x2FFFF;
	_ =	strace $0x9FFFFFFF  }
0xc9: {  	(tm) =	ssettm $0x7FFFFFFF  }
tec
execute0_lowered:
.L_overlay_start_1:
0x0: {  	(tag) =	ssettag $0x1  }
0x1: {  	s3 =	rddreg [dreg:$0x0]  }
0x2: {  	s4 =	rddreg [dreg:$0x1];
	s1 =	srdreg.scid  }
0x3: {  	s2 =	rddreg [dreg:$0x2];
	s6 =	sand.u32 $0x1, s1  }
0x4: {  	s0 =	rddreg [dreg:$0x3];
	s8 =	sshll.u32 s6, $0x9;
	s6 =	ssub.s32 $0x2, s6  }
0x5: {  	s5 =	stileid.u32;
	s11 =	simm.s32 $0x100;
	s10 =	sshrl.u32 s6, $0x1  }
0x6: {  	s12 =	simm.s32 $0x8200;
	s13 =	simm.s32 $0x180;
	s6 =	ssub.s32 s6, s10  }
0x7: {  	s14 =	simm.s32 $0xC200;
	p1 =	por $0x0, $0x0;
	s6 =	smax.u32 s6, $0x1  }
0x8: {  	s1 =	simm.s32 $0x0;
	s7 =	sshll.u32 s5, $0xA;
	s18 =	sadd.s32 $0xFFFFFFFF, s6  }
0x9: {  	s9 =	sadd.s32 $0x1800, s3;
	p0 =	sne.s32 s5, $0x0;
	p2 =	sne.s32 s18, $0x0  }
.Ltmp0:
0xa: {  	s5 =	simm.s32 $0x200;
	s8 =	sor.u32 s8, s7;
	(pc) =	sbr.rel @!p2 .LBB2_3-.Ltmp0, $4  }
0xb: {  	[smem:$0x7FF] =	sst s1;
	s15 =	sshrl.u32 @!p0 s2, $0x3;
	s7 =	sshrl.u32 s8, $0x3  }
0xc: {  	_ =	strace $0x80000047;
	s31 =	sshll.u32 s8, $0x4;
	s3 =	sadd.s32 s7, s3  }
0xd: {  	s8 =	simm.s32 $0x80;
	s10 =	simm.s32 $0x4200;
	s7 =	sadd.s32 $0x1000, s3  }
0xe: {  	s3 =	sadd.s32 s4, s31;
	s4 =	simm.s32 $0x2;
	s6 =	simm.s32 $0x1  }
0xf: {  	s16 =	simm.s32 @!p0 $0x1C02;
	s17 =	simm.s32 @!p0 $0x2  }
0x10: {  	[spmem:s15], [sflag:s16] =	dma.local @!p0 [hbm:s9], $0x3E80  }
0x11: {  	_ =	swait.ge @!p0 [sflag:s17], $0x3E80  }
0x12: {  	[sflag:s17] =	ssyncset.done @!p0 $0x0  }
0x13: {  	[sflag:s17] =	ssyncadd.s32 @!p0 $0xFFFFC180  }
0x14: {  	[bflag:$0x0] =	sbarrier.arrive $0xFFFF  }
0x15: {  	[tilespmem:s1], [sflag:$0x2] =	stream.linear.gather [hbm4b:s7+s1], $0x200, $0x38;
	[tilespmem:$0x12140] =	vst v63  }
0x16: {  	_ =	swait.ge [sflag:s4], $0x200  }
0x17: {  	[sflag:s4] =	ssyncset.done $0x0  }
0x18: {  	[sflag:s4] =	ssyncadd.s32 $0xFFFFFE00  }
0x19: {  	[tilespmem:s5], [sflag:$0x1] =	stream.indirect.gather [spmem:s2], $0x80, s1, s8, $0xb8;
	[tilespmem:$0x12140] =	vst v63  }
0x1a: {  	_ = 	snop  }
0x1b: {  	[tilespmem:s10], [sflag:$0x1] =	stream.indirect.gather [spmem:s2], $0x80, s8, s8, $0xb8;
	[tilespmem:$0x12140] =	vst v63  }
0x1c: {  	_ = 	snop  }
0x1d: {  	[tilespmem:s12], [sflag:$0x1] =	stream.indirect.gather [spmem:s2], $0x80, s11, s8, $0xb8;
	[tilespmem:$0x12140] =	vst v63  }
0x1e: {  	_ = 	snop  }
0x1f: {  	[tilespmem:s14], [sflag:$0x1] =	stream.indirect.gather [spmem:s2], $0x80, s13, s8, $0xb8;
	[tilespmem:$0x12140] =	vst v63  }
0x20: {  	_ =	swait.ge [sflag:s6], $0x4000  }
0x21: {  	[sflag:s6] =	ssyncset.done $0x0  }
0x22: {  	[sflag:s6] =	ssyncadd.s32 $0xFFFFC000  }
0x23: {  	_ =	swait.ge [sflag:s6], $0x4000  }
0x24: {  	[sflag:s6] =	ssyncset.done $0x0  }
0x25: {  	[sflag:s6] =	ssyncadd.s32 $0xFFFFC000  }
0x26: {  	_ =	swait.ge [sflag:s6], $0x4000  }
0x27: {  	[sflag:s6] =	ssyncset.done $0x0  }
0x28: {  	s18 =	sadd.s32 $0xFFFFFFFF, s18;
	[sflag:s6] =	ssyncadd.s32 $0xFFFFC000  }
0x29: {  	p2 =	sne.s32 s18, $0x0;
	_ =	swait.ge [sflag:s6], $0x4000  }
.Ltmp1:
0x2a: {  	[sflag:s6] =	ssyncset.done $0x0;
	(pc) =	sbr.rel @!p2 .LBB2_3-.Ltmp1, $4  }
0x2b: {  	[sflag:s6] =	ssyncadd.s32 $0xFFFFC000  }
0x2c: {  	[hbm4b:s3+s1] =	stream.linear.scatter [tilespmem:s5], [sflag:$0x2], $0x10000, $0x38;
	[tilespmem:$0x12140] =	vst v63  }
0x2d: {  	_ =	swait.ge [sflag:s4], $0x10000  }
0x2e: {  	p1 =	por $0x1, $0x1;
	[sflag:s4] =	ssyncset.done $0x0  }
.LBB2_2:
0x2f: {  	[sflag:s4] =	ssyncadd.s32 $0xFFFF0000  }
0x30: {  	[spmem:s15], [sflag:s16] =	dma.local @!p0 [hbm:s9], $0x3E80  }
0x31: {  	s18 =	sadd.s32 $0xFFFFFFFF, s18;
	_ =	swait.ge @!p0 [sflag:s17], $0x3E80  }
0x32: {  	p2 =	sne.s32 s18, $0x0;
	[sflag:s17] =	ssyncset.done @!p0 $0x0  }
0x33: {  	[sflag:s17] =	ssyncadd.s32 @!p0 $0xFFFFC180  }
0x34: {  	[bflag:$0x0] =	sbarrier.arrive $0xFFFF  }
0x35: {  	[tilespmem:s1], [sflag:$0x2] =	stream.linear.gather [hbm4b:s7+s1], $0x200, $0x38;
	[tilespmem:$0x12140] =	vst v63  }
0x36: {  	_ =	swait.ge [sflag:s4], $0x200  }
0x37: {  	[sflag:s4] =	ssyncset.done $0x0  }
0x38: {  	[sflag:s4] =	ssyncadd.s32 $0xFFFFFE00  }
0x39: {  	[tilespmem:s5], [sflag:$0x1] =	stream.indirect.gather [spmem:s2], $0x80, s1, s8, $0xb8;
	[tilespmem:$0x12140] =	vst v63  }
0x3a: {  	_ = 	snop  }
0x3b: {  	[tilespmem:s10], [sflag:$0x1] =	stream.indirect.gather [spmem:s2], $0x80, s8, s8, $0xb8;
	[tilespmem:$0x12140] =	vst v63  }
0x3c: {  	_ = 	snop  }
0x3d: {  	[tilespmem:s12], [sflag:$0x1] =	stream.indirect.gather [spmem:s2], $0x80, s11, s8, $0xb8;
	[tilespmem:$0x12140] =	vst v63  }
0x3e: {  	_ = 	snop  }
0x3f: {  	[tilespmem:s14], [sflag:$0x1] =	stream.indirect.gather [spmem:s2], $0x80, s13, s8, $0xb8;
	[tilespmem:$0x12140] =	vst v63  }
0x40: {  	_ =	swait.ge [sflag:s6], $0x4000  }
0x41: {  	[sflag:s6] =	ssyncset.done $0x0  }
0x42: {  	[sflag:s6] =	ssyncadd.s32 $0xFFFFC000  }
0x43: {  	_ =	swait.ge [sflag:s6], $0x4000  }
0x44: {  	[sflag:s6] =	ssyncset.done $0x0  }
0x45: {  	[sflag:s6] =	ssyncadd.s32 $0xFFFFC000  }
0x46: {  	_ =	swait.ge [sflag:s6], $0x4000  }
0x47: {  	[sflag:s6] =	ssyncset.done $0x0  }
0x48: {  	[sflag:s6] =	ssyncadd.s32 $0xFFFFC000  }
0x49: {  	_ =	swait.ge [sflag:s6], $0x4000  }
.Ltmp2:
0x4a: {  	[sflag:s6] =	ssyncset.done $0x0;
	(pc) =	sbr.rel @p2 .LBB2_2-.Ltmp2, $4  }
0x4b: {  	[sflag:s6] =	ssyncadd.s32 $0xFFFFC000  }
0x4c: {  	[hbm4b:s3+s1] =	stream.linear.scatter [tilespmem:s5], [sflag:$0x2], $0x10000, $0x38;
	[tilespmem:$0x12140] =	vst v63  }
0x4d: {  	_ =	swait.ge [sflag:s4], $0x10000  }
0x4e: {  	[sflag:s4] =	ssyncset.done $0x0  }
.LBB2_3:
0x4f: {  	s16 =	simm.s32 @!p0 $0x1C02;
	s17 =	simm.s32 @!p0 $0x2;
	[sflag:s4] =	ssyncadd.s32 @p1 $0xFFFF0000  }
0x50: {  	[spmem:s15], [sflag:s16] =	dma.local @!p0 [hbm:s9], $0x3E80  }
0x51: {  	_ =	swait.ge @!p0 [sflag:s17], $0x3E80  }
0x52: {  	[sflag:s17] =	ssyncset.done @!p0 $0x0  }
0x53: {  	[sflag:s17] =	ssyncadd.s32 @!p0 $0xFFFFC180  }
0x54: {  	[bflag:$0x0] =	sbarrier.arrive $0xFFFF  }
0x55: {  	[tilespmem:s1], [sflag:$0x2] =	stream.linear.gather [hbm4b:s7+s1], $0x200, $0x38;
	[tilespmem:$0x12140] =	vst v63  }
0x56: {  	_ =	swait.ge [sflag:s4], $0x200  }
0x57: {  	[sflag:s4] =	ssyncset.done $0x0  }
0x58: {  	[sflag:s4] =	ssyncadd.s32 $0xFFFFFE00  }
0x59: {  	[tilespmem:s5], [sflag:$0x1] =	stream.indirect.gather [spmem:s2], $0x80, s1, s8, $0xb8;
	[tilespmem:$0x12140] =	vst v63  }
0x5a: {  	_ = 	snop  }
0x5b: {  	[tilespmem:s10], [sflag:$0x1] =	stream.indirect.gather [spmem:s2], $0x80, s8, s8, $0xb8;
	[tilespmem:$0x12140] =	vst v63  }
0x5c: {  	_ = 	snop  }
0x5d: {  	[tilespmem:s12], [sflag:$0x1] =	stream.indirect.gather [spmem:s2], $0x80, s11, s8, $0xb8;
	[tilespmem:$0x12140] =	vst v63  }
0x5e: {  	_ = 	snop  }
0x5f: {  	[tilespmem:s14], [sflag:$0x1] =	stream.indirect.gather [spmem:s2], $0x80, s13, s8, $0xb8;
	[tilespmem:$0x12140] =	vst v63  }
0x60: {  	_ =	swait.ge [sflag:s6], $0x4000  }
0x61: {  	[sflag:s6] =	ssyncset.done $0x0  }
0x62: {  	[sflag:s6] =	ssyncadd.s32 $0xFFFFC000  }
0x63: {  	_ =	swait.ge [sflag:s6], $0x4000  }
0x64: {  	[sflag:s6] =	ssyncset.done $0x0  }
0x65: {  	[sflag:s6] =	ssyncadd.s32 $0xFFFFC000  }
0x66: {  	_ =	swait.ge [sflag:s6], $0x4000  }
0x67: {  	[sflag:s6] =	ssyncset.done $0x0  }
0x68: {  	[sflag:s6] =	ssyncadd.s32 $0xFFFFC000  }
0x69: {  	_ =	swait.ge [sflag:s6], $0x4000  }
0x6a: {  	[sflag:s6] =	ssyncset.done $0x0  }
0x6b: {  	[sflag:s6] =	ssyncadd.s32 $0xFFFFC000  }
0x6c: {  	[hbm4b:s3+s1] =	stream.linear.scatter [tilespmem:s5], [sflag:$0x2], $0x10000, $0x38;
	[tilespmem:$0x12140] =	vst v63  }
0x6d: {  	_ =	swait.ge [sflag:s4], $0x10000  }
0x6e: {  	[sflag:s4] =	ssyncset.done $0x0  }
0x6f: {  	[sflag:s4] =	ssyncadd.s32 $0xFFFF0000  }
0x70: {  	_ =	sfence.sel $0x180000  }
0x71: {  	[bflag:$0x0] =	sbarrier.arrive $0xFFFF  }
0x72: {  	_ =	strace $0x90000047  }
0x73: {  	s0 =	sadd.s32 @!p0 $0x100000, s0;
	[bflag:$0x2] =	sbarrier.arrive $0xFFFF  }
0x74: {  	[sflag:s0] =	ssyncadd.tile.s32 @!p0 $0x1;
	_ =	shalt  }
.Lfunc_end2:
_tile_overlayer_lowered:
.L_overlay_start_2:
0x75: {  	(tag) =	ssettag $0x2  }
0x76: {  	s0 =	rddreg [dreg:$0x0];
	s2 =	stileid.u32  }
0x77: {  	s1 =	rddreg [dreg:$0x1];
	p0 =	sne.s32 s2, $0x0  }
0x78: {  	s3 =	rddreg [dreg:$0x2];
	[bflag:$0x3] =	sbarrier.arrive $0xFFFF;
	s2 =	simm.s32 @!p0 $0x1C02  }
0x79: {  	[timem:s3], [sflag:s2] =	dma.local @!p0 [hbm:s0], s1  }
0x7a: {  	s0 =	simm.s32 @!p0 $0x2  }
0x7b: {  	_ =	swait.ge @!p0 [sflag:s0], s1  }
0x7c: {  	s1 =	ssub.s32 @!p0 $0x0, s1;
	[sflag:s0] =	ssyncset.done @!p0 $0x0  }
0x7d: {  	[sflag:s0] =	ssyncadd.s32 @!p0 s1  }
0x7e: {  	[bflag:$0x3] =	sbarrier.arrive $0xFFFF  }
0x7f: {  	_ =	shalt  }

// kernel: kernel.9.cloned.1.call-start
scs
__scs_entry_jumppad:
0x0: {  	(pc) =	sbr.rel $0x88, $3  }
0x1: {  	(tag) =	ssettag $0x0;
	lr =	simm.s32 $0x1  }
0x2: {  	[smem:$0x3F9F] =	sst lr;
	_ =	strace $0xD0000000  }
0x3: {  	_ = 	snop  }
0x4: {  	_ = 	snop  }
0x5: {  	_ = 	snop  }
0x6: {  	_ = 	snop  }
0x7: {  	_ = 	snop  }
__scs_overlays_trampoline_lowered:
0x8: {  	[smem:$0x3FAE] =	sst s0  }
0x9: {  	[smem:$0x3FAF] =	sst s1  }
0xa: {  	[smem:$0x3FB0] =	sst s2  }
0xb: {  	[smem:$0x3FB1] =	sst s3  }
0xc: {  	[smem:$0x3FB2] =	sst s4  }
0xd: {  	[smem:$0x3FB3] =	sst s5  }
0xe: {  	[smem:$0x3FB4] =	sst s6  }
0xf: {  	[smem:$0x3FB5] =	sst s7  }
0x10: {  	[smem:$0x3FB6] =	sst s8  }
0x11: {  	[smem:$0x3FB7] =	sst s9;
	s0 =	simm.s32 @!p0 $0x0  }
0x12: {  	s1 =	sld [smem:$0x3F9D];
	s0 =	simm.s32 @p0 $0x1  }
0x13: {  	[smem:$0x3FB8] =	sst s0;
	s0 =	simm.s32 @!p1 $0x0  }
0x14: {  	s2 =	sld [smem:$0x3F9C];
	s0 =	simm.s32 @p1 $0x1  }
0x15: {  	[smem:$0x3FB9] =	sst s0;
	s0 =	simm.s32 @!p2 $0x0  }
0x16: {  	s3 =	sld [smem:$0x3FDB];
	s0 =	simm.s32 @p2 $0x1  }
0x17: {  	s4 =	simm.s32 $0x1BF5;
	[smem:$0x3FBB] =	sst s0  }
0x18: {  	s0 =	sld [smem:$0x3F9E];
	_ =	swait.ge [sflag:s4], $0x0  }
0x19: {  	s7 =	sld [smem:$0x3F9F]  }
0x1a: {  	s8 =	sadd.s32 $0xFFFFE003, lr  }
0x1b: {  	s9 =	sadd.s32 $0xFFFFFEF7, lr;
	s5 =	simm.s32 $0xFFFFFFFF;
	p2 =	slt.u32 s8, $0xFFFFF086  }
0x1c: {  	p1 =	slt.u32 s9, $0xF7A;
	s5 =	simm.s32 @!p2 $0x0  }
0x1d: {  	s5 =	simm.s32 @p1 $0x1;
	p0 =	seq.s32 s7, s2  }
0x1e: {  	s7 =	smul.u32 @!p0 $0xF7A, s2;
	p2 =	seq.s32 @!p0 s5, $0x0  }
0x1f: {  	s9 =	smul.u32 $0xF7A, s1;
	s8 =	simm.s32 @!p0 $0x1BF5;
	p2 =	por !p2, p0  }
0x20: {  	[sflag:s8] =	ssyncset.s32 @!p0 $0xFFFFF086;
	s6 =	sadd.s32 @!p0 s3, s7;
	s7 =	simm.s32 @!p0 $0x108  }
0x21: {  	s3 =	sadd.s32 s3, s9;
	s6 =	sadd.s32 @!p0 $0x88, s6;
	s7 =	simm.s32 @p2 $0x1082  }
0x22: {  	[simem:s7], [sflag:s8] =	dma.local @!p0 [hbm:s6], $0xF7A  }
0x23: {  	s9 =	sor.u32 $0xD0000000, s2;
	s6 =	simm.s32 $0x108;
	_ =	swait.ge @!p0 [sflag:s8], $0x0  }
0x24: {  	s3 =	sadd.s32 $0x88, s3;
	s6 =	simm.s32 @!p1 $0x1082;
	[sflag:s4] =	ssyncset.s32 $0xFFFFF086  }
0x25: {  	[simem:s6], [sflag:s4] =	dma.local [hbm:s3], $0xF7A  }
0x26: {  	[smem:$0x3F9F] =	sst s1;
	(tag) =	ssettag s2;
	_ =	strace s9  }
0x27: {  	s1 =	sld [smem:$0x3FAF]  }
0x28: {  	s2 =	sld [smem:$0x3FB0]  }
0x29: {  	s4 =	sld [smem:$0x3FB2]  }
0x2a: {  	p0 =	seq.s32 s5, $0x0;
	s5 =	sld [smem:$0x3FB3]  }
0x2b: {  	s6 =	sld [smem:$0x3FB4]  }
0x2c: {  	s7 =	sld [smem:$0x3FB5]  }
0x2d: {  	s3 =	simm.s32 $0x108;
	s8 =	sld [smem:$0x3FB6]  }
0x2e: {  	s3 =	simm.s32 @!p0 $0x1082;
	s9 =	sld [smem:$0x3FB7]  }
0x2f: {  	lr =	sadd.s32 s0, s3;
	s0 =	sld [smem:$0x3FAE]  }
0x30: {  	s3 =	sld [smem:$0x3FB1]  }
0x31: {  	[smem:$0x3FBA] =	sst s10  }
0x32: {  	s10 =	sld [smem:$0x3FB8];
	_ =	sdelay $0x3  }
0x33: {  	p0 =	seq.s32 s10, $0x1;
	s10 =	sld [smem:$0x3FBA];
	_ =	sdelay $0x3  }
0x34: {  	[smem:$0x3FBA] =	sst s10  }
0x35: {  	s10 =	sld [smem:$0x3FB9];
	_ =	sdelay $0x3  }
0x36: {  	p1 =	seq.s32 s10, $0x1;
	s10 =	sld [smem:$0x3FBA];
	_ =	sdelay $0x3  }
0x37: {  	[smem:$0x3FBA] =	sst s10  }
0x38: {  	s10 =	sld [smem:$0x3FBB]  }
0x39: {  	_ = 	snop;
	(pc) =	sbr.ind lr, $3  }
0x3a: {  	_ = 	snop  }
0x3b: {  	_ = 	snop  }
0x3c: {  	p2 =	seq.s32 s10, $0x1;
	s10 =	sld [smem:$0x3FBA]  }
0x3d: {  	_ =	shalt  }
0x3e: {  	_ =	shalt  }
0x3f: {  	_ =	shalt  }
0x40: {  	_ =	shalt  }
0x41: {  	_ =	shalt  }
0x42: {  	_ =	shalt  }
0x43: {  	_ =	shalt  }
0x44: {  	_ =	shalt  }
0x45: {  	_ =	shalt  }
0x46: {  	_ =	shalt  }
0x47: {  	_ =	shalt  }
0x48: {  	_ =	shalt  }
0x49: {  	_ =	shalt  }
0x4a: {  	_ =	shalt  }
0x4b: {  	_ =	shalt  }
0x4c: {  	_ =	shalt  }
0x4d: {  	_ =	shalt  }
0x4e: {  	_ =	shalt  }
0x4f: {  	_ =	shalt  }
0x50: {  	_ =	shalt  }
0x51: {  	_ =	shalt  }
0x52: {  	_ =	shalt  }
0x53: {  	_ =	shalt  }
0x54: {  	_ =	shalt  }
0x55: {  	_ =	shalt  }
0x56: {  	_ =	shalt  }
0x57: {  	_ =	shalt  }
0x58: {  	_ =	shalt  }
0x59: {  	_ =	shalt  }
0x5a: {  	_ =	shalt  }
0x5b: {  	_ =	shalt  }
0x5c: {  	_ =	shalt  }
0x5d: {  	_ =	shalt  }
0x5e: {  	_ =	shalt  }
0x5f: {  	_ =	shalt  }
0x60: {  	_ =	shalt  }
0x61: {  	_ =	shalt  }
0x62: {  	_ =	shalt  }
0x63: {  	_ =	shalt  }
0x64: {  	_ =	shalt  }
0x65: {  	_ =	shalt  }
0x66: {  	_ =	shalt  }
0x67: {  	_ =	shalt  }
0x68: {  	_ =	shalt  }
0x69: {  	_ =	shalt  }
0x6a: {  	_ =	shalt  }
0x6b: {  	_ =	shalt  }
0x6c: {  	_ =	shalt  }
0x6d: {  	_ =	shalt  }
0x6e: {  	_ =	shalt  }
0x6f: {  	_ =	shalt  }
0x70: {  	_ =	shalt  }
0x71: {  	_ =	shalt  }
0x72: {  	_ =	shalt  }
0x73: {  	_ =	shalt  }
0x74: {  	_ =	shalt  }
0x75: {  	_ =	shalt  }
0x76: {  	_ =	shalt  }
0x77: {  	_ =	shalt  }
0x78: {  	_ =	shalt  }
0x79: {  	_ =	shalt  }
0x7a: {  	_ =	shalt  }
0x7b: {  	_ =	shalt  }
0x7c: {  	_ =	shalt  }
0x7d: {  	_ =	shalt  }
0x7e: {  	_ =	shalt  }
0x7f: {  	_ =	shalt  }
0x80: {  	_ =	shalt  }
0x81: {  	_ =	shalt  }
0x82: {  	_ =	shalt  }
0x83: {  	_ =	shalt  }
0x84: {  	_ =	shalt  }
0x85: {  	_ =	shalt  }
0x86: {  	_ =	shalt  }
0x87: {  	_ =	shalt  }
.Lfunc_end0:
.L_simem_size_0:
called_computation.1_lowered:
.L_overlay_start_0:
0x88: {  	s2 =	sld [smem:$0x3FD9]  }
0x89: {  	s3 =	sld [smem:$0x3FFE];
	_ =	sdelay $0x1  }
0x8a: {  	s1 =	srdreg.scid  }
0x8b: {  	s0 =	sand.u32 $0x1, s1  }
0x8c: {  	s15 =	sshll.u32 s0, $0xA;
	s2 =	sadd.s32 s3, s2  }
0x8d: {  	s2 =	sadd.s32 s2, s15  }
0x8e: {  	[smem:$0x3FC6] =	sst s2  }
0x8f: {  	_ = 	snop  }
0x90: {  	s2 =	sld [smem:$0x3FD0];
	_ =	sdelay $0x2  }
0x91: {  	s16 =	simm.s32 $0xB;
	s4 =	simm.s32 $0x10  }
0x92: {  	[smem:s4], [sflag:s16] =	dma.local [hbm:s2], $0x1  }
0x93: {  	_ =	swait.eq [sflag:s16], $0x1  }
0x94: {  	[sflag:s16] =	ssyncset.done $0x0  }
0x95: {  	[sflag:s16] =	ssyncadd.s32 $0xFFFFFFFF  }
0x96: {  	s17 =	sld [smem:$0x11];
	(tm) =	ssettm $0x1  }
0x97: {  	s18 =	sld [smem:$0x3FFB];
	_ =	sdelay $0x3  }
0x98: {  	_ =	strace s18  }
0x99: {  	s2 =	sld [smem:$0x3FFC];
	_ =	sdelay $0x3  }
0x9a: {  	_ =	strace s2  }
0x9b: {  	s2 =	sld [smem:$0x3FFD];
	_ =	sdelay $0x3  }
0x9c: {  	_ =	strace s2  }
0x9d: {  	_ =	strace $0x8FFFFFFF  }
0x9e: {  	s19 =	sld [smem:$0x3FDB];
	_ =	sdelay $0x1  }
0x9f: {  	s20 =	simm.s32 $_scs_section_size  }
0xa0: {  	s5 =	simm.s32 $_size__tile_overlayer_lowered;
	s6 =	simm.s32 $_tile_overlayer_lowered  }
0xa1: {  	s7 =	simm.s32 $0x1BFF;
	s21 =	sshll.u32 s6, $0x1;
	s4 =	sadd.s32 s20, s19  }
0xa2: {  	s22 =	simm.s32 $0x0;
	s5 =	sshll.u32 s5, $0x1;
	s6 =	sadd.s32 s21, s4  }
0xa3: {  	[timem:s22], [sflag:s7] =	dma.local [hbm:s6], s5  }
0xa4: {  	_ =	swait.ge [sflag:s7], s5  }
0xa5: {  	s5 =	ssub.s32 $0x0, s5;
	[sflag:s7] =	ssyncset.done $0x0  }
0xa6: {  	[sflag:s7] =	ssyncadd.s32 s5;
	_ =	sdelay $0x1  }
0xa7: {  	s23 =	simm.s32 $0x1B8B  }
0xa8: {  	_ =	swait.ge [sflag:s23], $0x1  }
0xa9: {  	[sflag:s23] =	ssyncset.done $0x0  }
0xaa: {  	[sflag:s23] =	ssyncadd.s32 $0xFFFFFFFF  }
0xab: {  	s5 =	sld [smem:$0x0]  }
0xac: {  	s6 =	sand.u32 $0xFFFFFFFE, s1  }
0xad: {  	p0 =	sne.s32 s1, s6  }
0xae: {  	s6 =	sshll.u32 @p0 s6, $0xE  }
0xaf: {  	s6 =	sadd.s32 @p0 $0x11B8D, s6;
	s7 =	sshll.u32 @p0 s5, $0x11  }
0xb0: {  	s6 =	sor.u32 @p0 s7, s6  }
0xb1: {  	[sflag:s6] =	ssyncadd.remote.s32 @p0 $0x1;
	_ =	sdelay $0x1  }
0xb2: {  	s6 =	simm.s32 @p0 $0x1B8D  }
0xb3: {  	_ =	swait.eq @p0 [sflag:s6], $0x1  }
0xb4: {  	[sflag:s6] =	ssyncadd.s32 @p0 $0xFFFFFFFF  }
0xb5: {  	s7 =	sshll.u32 @!p0 s1, $0xE  }
0xb6: {  	s7 =	sor.u32 @!p0 $0x4000, s7;
	s6 =	simm.s32 @!p0 $0x1B8D  }
0xb7: {  	s5 =	sshll.u32 @!p0 s5, $0x11;
	s7 =	sadd.s32 @!p0 $0x11B8D, s7;
	_ =	swait.eq @!p0 [sflag:s6], $0x1  }
0xb8: {  	s5 =	sor.u32 @!p0 s5, s7;
	[sflag:s6] =	ssyncadd.s32 @!p0 $0xFFFFFFFF  }
0xb9: {  	s25 =	simm.s32 $0x1B8E;
	s24 =	sld [smem:$0x3FFE];
	[sflag:s5] =	ssyncadd.remote.s32 @!p0 $0x1  }
0xba: {  	s26 =	simm.s32 $execute0_lowered;
	[smem:$0x3FD2] =	sst s25  }
0xbb: {  	s6 =	sshll.u32 s26, $0x1;
	_ =	strace $0x80000049;
	[dreg:$0x1] =	wrdreg $0xFFFFFFFF  }
0xbc: {  	s28 =	simm.s32 $_size_execute0_lowered;
	s4 =	sadd.s32 s4, s6;
	[dreg:$0x0] =	wrdreg $0x0  }
0xbd: {  	s6 =	sshll.u32 s28, $0x1;
	[dreg:$0x2] =	wrdreg s4  }
0xbe: {  	[dreg:$0x3] =	wrdreg s6  }
0xbf: {  	[dreg:$0x4] =	wrdreg $0xC0  }
0xc0: {  	_ =	task [dreg:s22], $0x5FFFF  }
0xc1: {  	[dreg:$0x1] =	wrdreg $0xFFFFFFFF  }
0xc2: {  	[dreg:$0x0] =	wrdreg $0x60  }
0xc3: {  	[dreg:$0x2] =	wrdreg s24  }
0xc4: {  	[dreg:$0x3] =	wrdreg s17  }
0xc5: {  	[dreg:$0x4] =	wrdreg $0x168000  }
0xc6: {  	[dreg:$0x5] =	wrdreg $0xA  }
0xc7: {  	_ =	task.clear_ibuf [dreg:s22], $0x6FFFF;
	_ =	strace $0x90000049  }
0xc8: {  	s29 =	simm.s32 $0xA;
	_ =	strace $0x8000004B  }
0xc9: {  	_ =	swait.ge [sflag:s29], $0x1  }
0xca: {  	[sflag:s29] =	ssyncadd.s32 $0xFFFFFFFF  }
0xcb: {  	_ =	strace $0x9000004B  }
0xcc: {  	_ =	sfence  }
0xcd: {  	s30 =	sld [smem:$0x0];
	_ =	sdelay $0x2  }
0xce: {  	s31 =	sshll.u32 s1, $0xD;
	s1 =	sshrl.u32 s1, $0x2  }
0xcf: {  	s4 =	sand.u32 $0x4000, s31;
	s1 =	sadd.s32 s1, s30  }
0xd0: {  	s0 =	sor.u32 s4, s0;
	s1 =	sshll.u32 s1, $0x11  }
0xd1: {  	s0 =	sor.u32 s1, s0  }
0xd2: {  	s0 =	sadd.s32 $0x8F2B, s0  }
0xd3: {  	[sflag:s0] =	ssyncadd.remote.s32 $0x1  }
0xd4: {  	_ =	sfence.sel $0xFFFF  }
0xd5: {  	[dreg:$0x0] =	wrdreg $0xFFFFFFFF;
	(pc) =	sbr.abs _section_cstart, $3  }
0xd6: {  	[dreg:$0x1] =	wrdreg $0xFFFFFFFF  }
0xd7: {  	_ =	task.clear_ibuf [dreg:s22], $0x2FFFF;
	_ =	strace $0x9FFFFFFF  }
0xd8: {  	(tm) =	ssettm $0x7FFFFFFF  }
0xd9: {  	_ =	shalt  }
tec
execute0_lowered:
.L_overlay_start_1:
0x0: {  	(tag) =	ssettag $0x1  }
0x1: {  	s5 =	rddreg [dreg:$0x0]  }
0x2: {  	s0 =	srdreg.scid;
	s1 =	rddreg [dreg:$0x1]  }
0x3: {  	s9 =	stileid.u32;
	s2 =	rddreg [dreg:$0x2];
	s3 =	simm.s32 $0x0  }
0x4: {  	s13 =	simm.s32 $0x80;
	s14 =	simm.s32 $0x6800;
	s15 =	simm.s32 $0xA800  }
0x5: {  	s16 =	simm.s32 $0x1;
	s17 =	simm.s32 $0x100;
	s18 =	simm.s32 $0xE800  }
0x6: {  	s19 =	simm.s32 $0x180;
	s20 =	simm.s32 $0x12800;
	s21 =	simm.s32 $0x2  }
0x7: {  	s22 =	simm.s32 $0x3;
	s23 =	simm.s32 $0x200;
	s24 =	simm.s32 $0x280  }
0x8: {  	s25 =	simm.s32 $0x4;
	s26 =	simm.s32 $0x0;
	s4 =	sand.u32 $0x1, s0  }
0x9: {  	s28 =	sshll.u32 s9, $0x1;
	[smem:$0x7FF] =	sst s3;
	s10 =	smul.u32 $0x660000, s9  }
0xa: {  	p0 =	sne.s32 s9, $0x0;
	s6 =	sor.u32 s4, s28;
	s12 =	smul.u32 $0x330000, s4  }
0xb: {  	s8 =	ssub.s32 $0x2, s4;
	_ =	strace $0x8000004A;
	s7 =	smul.u32 $0xD00, s6  }
0xc: {  	s4 =	sadd.s32 $0x1800, s5;
	s6 =	smul.u32 $0x330000, s6;
	s11 =	sshrl.u32 s8, $0x1  }
.Ltmp0:
0xd: {  	s29 =	ssub.s32 s8, s11;
	s10 =	sadd.s32 s12, s10;
	(pc) =	sbr.rel .LBB2_1-.Ltmp0, $4  }
0xe: {  	s12 =	simm.s32 $0x5;
	s5 =	sadd.s32 s7, s5;
	s30 =	sshrl.u32 s6, $0x3  }
0xf: {  	s6 =	smax.u32 s29, $0x1;
	s31 =	sadd.s32 $0x18000, s10;
	s9 =	sadd.s32 $0x10000, s10  }
0x10: {  	s5 =	sadd.s32 $0x5800, s5;
	s7 =	sadd.s32 s1, s30;
	s11 =	sshrl.u32 s31, $0x3  }
0x11: {  	s8 =	sadd.s32 $0x1000, s7;
	s10 =	sadd.s32 s11, s1;
	s11 =	sshrl.u32 @!p0 s2, $0x3  }
.LBB2_4:
0x12: {  	s26 =	sadd.s32 $0x1, s26  }
0x13: {  	p1 =	sne.s32 s26, s6  }
.Ltmp1:
0x14: {  	_ = 	snop;
	(pc) =	sbr.rel @!p1 .LBB2_5-.Ltmp1, $4  }
0x15: {  	_ = 	snop  }
0x16: {  	_ =	swait.ge [sflag:s25], $0x8000  }
0x17: {  	[sflag:s25] =	ssyncset.done $0x0  }
0x18: {  	[sflag:s25] =	ssyncadd.s32 $0xFFFF8000  }
.LBB2_1:
0x19: {  	s28 =	simm.s32 @!p0 $0x1C05  }
0x1a: {  	[spmem:s11], [sflag:s28] =	dma.local @!p0 [hbm:s4], $0x3E80  }
0x1b: {  	s28 =	simm.s32 @!p0 $0x5  }
0x1c: {  	_ =	swait.ge @!p0 [sflag:s28], $0x3E80  }
0x1d: {  	[sflag:s28] =	ssyncset.done @!p0 $0x0  }
0x1e: {  	[sflag:s28] =	ssyncadd.s32 @!p0 $0xFFFFC180  }
0x1f: {  	[bflag:$0x0] =	sbarrier.arrive $0xFFFF  }
0x20: {  	[tilespmem:s3], [sflag:$0x5] =	stream.linear.gather [hbm4b:s5+s3], $0x6600, $0x38;
	[tilespmem:$0x18740] =	vst v63  }
0x21: {  	_ =	swait.ge [sflag:s12], $0x6600  }
0x22: {  	[sflag:s12] =	ssyncset.done $0x0  }
0x23: {  	[sflag:s12] =	ssyncadd.s32 $0xFFFF9A00  }
0x24: {  	[tilespmem:s14], [sflag:$0x1] =	stream.indirect.gather [spmem:s2], $0x80, s3, s13, $0xb8;
	[tilespmem:$0x18740] =	vst v63  }
0x25: {  	_ = 	snop  }
0x26: {  	[tilespmem:s15], [sflag:$0x1] =	stream.indirect.gather [spmem:s2], $0x80, s13, s13, $0xb8;
	[tilespmem:$0x18740] =	vst v63  }
0x27: {  	_ =	swait.ge [sflag:s16], $0x4000  }
0x28: {  	[sflag:s16] =	ssyncset.done $0x0  }
0x29: {  	[sflag:s16] =	ssyncadd.s32 $0xFFFFC000  }
0x2a: {  	_ =	swait.ge [sflag:s16], $0x4000  }
0x2b: {  	[sflag:s16] =	ssyncset.done $0x0  }
0x2c: {  	[sflag:s16] =	ssyncadd.s32 $0xFFFFC000  }
0x2d: {  	[hbm4b:s7+s3] =	stream.linear.scatter [tilespmem:s14], [sflag:$0x3], $0x8000, $0x38;
	[tilespmem:$0x18740] =	vst v63  }
0x2e: {  	_ = 	snop  }
0x2f: {  	[tilespmem:s18], [sflag:$0x2] =	stream.indirect.gather [spmem:s2], $0x80, s17, s13, $0xb8;
	[tilespmem:$0x18740] =	vst v63  }
0x30: {  	_ = 	snop  }
0x31: {  	[tilespmem:s20], [sflag:$0x2] =	stream.indirect.gather [spmem:s2], $0x80, s19, s13, $0xb8;
	[tilespmem:$0x18740] =	vst v63  }
0x32: {  	_ =	swait.ge [sflag:s21], $0x4000  }
0x33: {  	[sflag:s21] =	ssyncset.done $0x0  }
0x34: {  	[sflag:s21] =	ssyncadd.s32 $0xFFFFC000  }
0x35: {  	_ =	swait.ge [sflag:s21], $0x4000  }
0x36: {  	[sflag:s21] =	ssyncset.done $0x0  }
0x37: {  	[sflag:s21] =	ssyncadd.s32 $0xFFFFC000  }
0x38: {  	[hbm4b:s8+s3] =	stream.linear.scatter [tilespmem:s18], [sflag:$0x4], $0x8000, $0x38;
	[tilespmem:$0x18740] =	vst v63  }
0x39: {  	_ =	swait.ge [sflag:s22], $0x8000  }
0x3a: {  	[sflag:s22] =	ssyncset.done $0x0  }
0x3b: {  	[sflag:s22] =	ssyncadd.s32 $0xFFFF8000  }
0x3c: {  	[tilespmem:s14], [sflag:$0x1] =	stream.indirect.gather [spmem:s2], $0x80, s23, s13, $0xb8;
	[tilespmem:$0x18740] =	vst v63  }
0x3d: {  	s29 =	smov.u32 s9;
	s30 =	simm.s32 $0x0;
	s28 =	smov.u32 s10  }
0x3e: {  	[tilespmem:s15], [sflag:$0x1] =	stream.indirect.gather [spmem:s2], $0x80, s24, s13, $0xb8;
	[tilespmem:$0x18740] =	vst v63  }
.LBB2_2:
0x3f: {  	_ =	swait.ge [sflag:s16], $0x4000  }
0x40: {  	[sflag:s16] =	ssyncset.done $0x0  }
0x41: {  	[sflag:s16] =	ssyncadd.s32 $0xFFFFC000  }
0x42: {  	_ =	swait.ge [sflag:s16], $0x4000  }
0x43: {  	s31 =	sshrl.u32 s29, $0x3;
	[sflag:s16] =	ssyncset.done $0x0  }
0x44: {  	s31 =	sadd.s32 s1, s31;
	[sflag:s16] =	ssyncadd.s32 $0xFFFFC000  }
0x45: {  	[hbm4b:s31+s3] =	stream.linear.scatter [tilespmem:s14], [sflag:$0x3], $0x8000, $0x38;
	[tilespmem:$0x18740] =	vst v63  }
0x46: {  	_ =	swait.ge [sflag:s25], $0x8000  }
0x47: {  	s31 =	sshra.s32 s30, $0x2;
	[sflag:s25] =	ssyncset.done $0x0  }
0x48: {  	s0 =	sadd.s32 $0x300, s31;
	[sflag:s25] =	ssyncadd.s32 $0xFFFF8000  }
0x49: {  	[tilespmem:s18], [sflag:$0x2] =	stream.indirect.gather [spmem:s2], $0x80, s0, s13, $0xb8;
	[tilespmem:$0x18740] =	vst v63  }
0x4a: {  	s0 =	sadd.s32 $0x380, s31  }
0x4b: {  	[tilespmem:s20], [sflag:$0x2] =	stream.indirect.gather [spmem:s2], $0x80, s0, s13, $0xb8;
	[tilespmem:$0x18740] =	vst v63  }
0x4c: {  	_ =	swait.ge [sflag:s21], $0x4000  }
0x4d: {  	[sflag:s21] =	ssyncset.done $0x0  }
0x4e: {  	[sflag:s21] =	ssyncadd.s32 $0xFFFFC000  }
0x4f: {  	_ =	swait.ge [sflag:s21], $0x4000  }
0x50: {  	p1 =	seq.s32 s30, $0x18800;
	[sflag:s21] =	ssyncset.done $0x0  }
.Ltmp2:
0x51: {  	[sflag:s21] =	ssyncadd.s32 $0xFFFFC000;
	(pc) =	sbr.rel @p1 .LBB2_4-.Ltmp2, $4  }
0x52: {  	[hbm4b:s28+s3] =	stream.linear.scatter [tilespmem:s18], [sflag:$0x4], $0x8000, $0x38;
	[tilespmem:$0x18740] =	vst v63  }
0x53: {  	_ =	swait.ge [sflag:s22], $0x8000  }
0x54: {  	[sflag:s22] =	ssyncset.done $0x0  }
0x55: {  	[sflag:s22] =	ssyncadd.s32 $0xFFFF8000  }
.Ltmp3:
0x56: {  	(pc) =	sbr.rel .LBB2_2-.Ltmp3, $4  }
0x57: {  	s0 =	sadd.s32 $0x400, s31;
	s31 =	sadd.s32 $0x480, s31  }
0x58: {  	[tilespmem:s14], [sflag:$0x1] =	stream.indirect.gather [spmem:s2], $0x80, s0, s13, $0xb8;
	[tilespmem:$0x18740] =	vst v63  }
0x59: {  	s30 =	sadd.s32 $0x800, s30;
	s29 =	sadd.s32 $0x10000, s29;
	s28 =	sadd.s32 $0x2000, s28  }
0x5a: {  	[tilespmem:s15], [sflag:$0x1] =	stream.indirect.gather [spmem:s2], $0x80, s31, s13, $0xb8;
	[tilespmem:$0x18740] =	vst v63  }
.LBB2_5:
0x5b: {  	_ =	sfence.sel $0x180000  }
0x5c: {  	[bflag:$0x0] =	sbarrier.arrive $0xFFFF  }
0x5d: {  	_ =	strace $0x9000004A  }
0x5e: {  	[bflag:$0x2] =	sbarrier.arrive $0xFFFF  }
0x5f: {  	s0 =	rddreg [dreg:$0x3]  }
0x60: {  	s0 =	sadd.s32 @!p0 $0x100000, s0  }
0x61: {  	[sflag:s0] =	ssyncadd.tile.s32 @!p0 $0x1;
	_ =	shalt  }
.Lfunc_end2:
_tile_overlayer_lowered:
.L_overlay_start_2:
0x62: {  	(tag) =	ssettag $0x2  }
0x63: {  	s0 =	rddreg [dreg:$0x0];
	s2 =	stileid.u32  }
0x64: {  	s1 =	rddreg [dreg:$0x1];
	p0 =	sne.s32 s2, $0x0  }
0x65: {  	s3 =	rddreg [dreg:$0x2];
	[bflag:$0x3] =	sbarrier.arrive $0xFFFF;
	s2 =	simm.s32 @!p0 $0x1C05  }
0x66: {  	[timem:s3], [sflag:s2] =	dma.local @!p0 [hbm:s0], s1  }
0x67: {  	s0 =	simm.s32 @!p0 $0x5  }
0x68: {  	_ =	swait.ge @!p0 [sflag:s0], s1  }
0x69: {  	s1 =	ssub.s32 @!p0 $0x0, s1;
	[sflag:s0] =	ssyncset.done @!p0 $0x0  }
0x6a: {  	[sflag:s0] =	ssyncadd.s32 @!p0 s1  }
0x6b: {  	[bflag:$0x3] =	sbarrier.arrive $0xFFFF  }
0x6c: {  	_ =	shalt  }

</sc_bundles>
